<compile_context>
chip_gen: v7x
topology: tpu7x:2x2x1
jax: 0.10.2.dev20260603
libtpu: 0.0.44.dev20260713+nightly
codegen_flags: <defaults>
</compile_context>

<pallas_src>
import numpy as np
import jax
import jax.numpy as jnp
from jax import lax
from jax.experimental import pallas as pl
from jax.experimental.pallas import tpu as pltpu
from jax.experimental.pallas import tpu_sc as plsc

_MAXLEN = 200
_VOCAB = 1000000
_EMBED = 32
_BATCH = 4096
_SEQ = 200
_SCALE = float(np.sqrt(np.float32(_EMBED)))


def _positional_encoding(position, d_model):
    pos = np.arange(position)[:, np.newaxis]
    i = np.arange(d_model)[np.newaxis, :]
    angle_rates = 1 / np.power(10000, 2 * (i // 2) / np.float32(d_model))
    angle_rads = pos * angle_rates
    angle_rads[:, 0::2] = np.sin(angle_rads[:, 0::2])
    angle_rads[:, 1::2] = np.cos(angle_rads[:, 1::2])
    return angle_rads.astype(np.float32)


_POS_NP = _positional_encoding(_MAXLEN, _EMBED)[:_SEQ]

_NW = 32
_BBLK = _BATCH // _NW
_PACK = 128 // _EMBED
_ROW = _EMBED * _PACK
_NB = 4
_NG = _SEQ // _NB


def _sc_kernel(idx_hbm, table_hbm, pos_hbm, out_hbm,
               idxt_v, rows_v, tout_v, pos_v, *sems):
    sem_g = sems[:_NB]
    sem_s = sems[_NB:]
    nc = 2
    wid = lax.axis_index("s") * nc + lax.axis_index("c")
    b0 = wid * _BBLK
    pltpu.sync_copy(pos_hbm, pos_v)
    lane = lax.iota(jnp.int32, 16)

    pltpu.sync_copy(idx_hbm.at[slice(None), pl.ds(b0, _BBLK)], idxt_v)

    def start_gather(s, b):
        pltpu.async_copy(table_hbm.at[idxt_v.at[s]], rows_v.at[b], sem_g[b])

    for b in range(_NB):
        start_gather(b, b)

    def outer(g, _):
        for b in range(_NB):
            s = g * _NB + b
            pltpu.make_async_copy(
                table_hbm.at[idxt_v.at[0]], rows_v.at[b], sem_g[b]).wait()

            @pl.when(g > 0)
            def _():
                pltpu.make_async_copy(
                    tout_v.at[b, slice(None), pl.ds(0, _BBLK)],
                    out_hbm.at[0, slice(None), pl.ds(b0, _BBLK)],
                    sem_s[b]).wait()

            posv0 = pos_v[pl.ds(s * _EMBED, 16)]
            posv1 = pos_v[pl.ds(s * _EMBED + 16, 16)]
            bv = jnp.full((16,), b, jnp.int32)
            lane16 = lane + 16

            @plsc.parallel_loop(0, _BBLK, unroll=8)
            def _jbody(j):
                r0 = rows_v[b, j, pl.ds(0, 16)]
                r1 = rows_v[b, j, pl.ds(16, 16)]
                jv = jnp.full((16,), j, jnp.int32)
                plsc.store_scatter(tout_v, [bv, lane, jv],
                                   r0 * _SCALE + posv0)
                plsc.store_scatter(tout_v, [bv, lane16, jv],
                                   r1 * _SCALE + posv1)


            pltpu.async_copy(
                tout_v.at[b, slice(None), pl.ds(0, _BBLK)],
                out_hbm.at[s, slice(None), pl.ds(b0, _BBLK)],
                sem_s[b])

            @pl.when(s + _NB < _SEQ)
            def _():
                start_gather(s + _NB, b)
        return 0

    lax.fori_loop(0, _NG, outer, 0)
    for b in range(_NB):
        pltpu.make_async_copy(
            tout_v.at[b, slice(None), pl.ds(0, _BBLK)],
            out_hbm.at[0, slice(None), pl.ds(b0, _BBLK)],
            sem_s[b]).wait()


def _impl(x, token_table):
    pos = jnp.asarray(_POS_NP).reshape(_SEQ * _EMBED)
    table4 = jnp.pad(token_table, ((0, 0), (0, _ROW - _EMBED)))
    mesh = plsc.VectorSubcoreMesh(core_axis_name="c", subcore_axis_name="s")
    run = pl.kernel(
        _sc_kernel,
        mesh=mesh,
        out_type=jax.ShapeDtypeStruct((_SEQ, _EMBED, _BATCH), jnp.float32),
        scratch_types=(
            [pltpu.VMEM((_SEQ, _BBLK), jnp.int32),
             pltpu.VMEM((_NB, _BBLK, _ROW), jnp.float32),
             pltpu.VMEM((_NB, _EMBED, _BBLK + 1), jnp.float32),
             pltpu.VMEM((_SEQ * _EMBED,), jnp.float32)]
            + [pltpu.SemaphoreType.DMA] * (2 * _NB)
        ),
        compiler_params=pltpu.CompilerParams(use_tc_tiling_on_sc=True,
                                             needs_layout_passes=False),
    )
    out_t = run(jnp.swapaxes(x, 0, 1), table4, pos)
    return jnp.transpose(out_t, (2, 0, 1))


def kernel(x, token_table):
    return _impl(x, token_table)

# --- scband reference (transcript-rebuilt; emitter-appended) ---
"""Pipeline reference for scband-tokposangles-10342281249285 (READ-ONLY COPY).

The authoritative reference and input builder live on the scoring server;
editing this copy changes nothing except your own understanding.
"""

import jax, jax.numpy as jnp
import numpy as np

MAXLEN = 200
VOCAB = 1000000
EMBED = 32
BATCH = 4096
SEQ = 200

def positional_encoding(position, d_model):
    pos = np.arange(position)[:, np.newaxis]
    i = np.arange(d_model)[np.newaxis, :]
    angle_rates = 1 / np.power(10000, 2 * (i // 2) / np.float32(d_model))
    angle_rads = pos * angle_rates
    angle_rads[:, 0::2] = np.sin(angle_rads[:, 0::2])
    angle_rads[:, 1::2] = np.cos(angle_rads[:, 1::2])
    return jnp.asarray(angle_rads[np.newaxis, ...], dtype=jnp.float32)

POS = positional_encoding(MAXLEN, EMBED)

def setup_inputs(seed: int = 0) -> dict:
    key = jax.random.key(seed)
    k1, k2 = jax.random.split(key)
    x = jax.random.randint(k1, (BATCH, SEQ), 0, VOCAB, dtype=jnp.int32)
    token_table = jax.random.normal(k2, (VOCAB, EMBED), dtype=jnp.float32) * 0.05
    return {"x": x, "token_table": token_table}

def reference(x, token_table):
    # token embedding lookup (gather)
    emb = jnp.take(token_table, x, axis=0)
    # scale by sqrt(d_model)
    emb = emb * jnp.sqrt(jnp.asarray(EMBED, dtype=jnp.float32))
    # add sinusoidal positional encoding (sliced to seq_len)
    seq_len = x.shape[1]
    return emb + POS[:, :seq_len, :]

if __name__ == "__main__":
    import jax
    _d = setup_inputs()
    print(jax.jit(kernel)(*tuple(_d.values())))

</pallas_src>

<mosaic_0001>
#map = affine_map<(d0, d1) -> (0, 0)>
#map1 = affine_map<(d0, d1) -> (0)>
#map2 = affine_map<(d0, d1) -> (0, 0, 0)>
module attributes {stable_mosaic.version = 14 : i64} {
  func.func @_sc_kernel(%arg0: i32, %arg1: i32, %arg2: memref<200x4096xi32, #tpu.memory_space<hbm>>, %arg3: memref<1000000x128xf32, #tpu.memory_space<hbm>>, %arg4: memref<6400xf32, #tpu.memory_space<hbm>>, %arg5: memref<200x32x4096xf32, #tpu.memory_space<hbm>>, %arg6: memref<200x128xi32, #tpu.memory_space<vmem>>, %arg7: memref<4x128x128xf32, #tpu.memory_space<vmem>>, %arg8: memref<4x32x129xf32, #tpu.memory_space<vmem>>, %arg9: memref<6400xf32, #tpu.memory_space<vmem>>, %arg10: memref<!tpu.dma_semaphore, #tpu.memory_space<semaphore_mem>>, %arg11: memref<!tpu.dma_semaphore, #tpu.memory_space<semaphore_mem>>, %arg12: memref<!tpu.dma_semaphore, #tpu.memory_space<semaphore_mem>>, %arg13: memref<!tpu.dma_semaphore, #tpu.memory_space<semaphore_mem>>, %arg14: memref<!tpu.dma_semaphore, #tpu.memory_space<semaphore_mem>>, %arg15: memref<!tpu.dma_semaphore, #tpu.memory_space<semaphore_mem>>, %arg16: memref<!tpu.dma_semaphore, #tpu.memory_space<semaphore_mem>>, %arg17: memref<!tpu.dma_semaphore, #tpu.memory_space<semaphore_mem>>) attributes {dimension_semantics = [#tpu.dimension_semantics<core_parallel>, #tpu.dimension_semantics<subcore_parallel>], iteration_bounds = array<i64: 2, 16>, scalar_prefetch = 0 : i64, scratch_operands = 12 : i64, tpu.core_type = #tpu.core_type<sc_vector_subcore>, window_params = [{transform_indices = #map}, {transform_indices = #map}, {transform_indices = #map1}, {transform_indices = #map2}]} {
    %mul3A = arith.constant 2 : i32
    %mul3A_0 = arith.muli %arg1, %mul3A : i32
    %add3A = arith.addi %mul3A_0, %arg0 : i32
    %mul3A_1 = arith.constant 128 : i32
    %mul3A_2 = arith.muli %add3A, %mul3A_1 : i32
    "tpu.region"() ({
      %run_scoped3A = tpu.sem_alloc : memref<!tpu.dma_semaphore, #tpu.memory_space<semaphore_mem>>
      tpu.enqueue_dma source(%arg4 : memref<6400xf32, #tpu.memory_space<hbm>>) target(%arg9 : memref<6400xf32, #tpu.memory_space<vmem>>) target_semaphore(%run_scoped3A : memref<!tpu.dma_semaphore, #tpu.memory_space<semaphore_mem>>)
      tpu.wait_dma2 semaphore(%run_scoped3A : memref<!tpu.dma_semaphore, #tpu.memory_space<semaphore_mem>>) src(%arg4 : memref<6400xf32, #tpu.memory_space<hbm>>) dst(%arg9 : memref<6400xf32, #tpu.memory_space<vmem>>)
      tpu.yield
    }) : () -> ()
    %iota3A = tpu.iota {dimensions = array<i32: 0>} : vector<16xi32>
    "tpu.region"() ({
      %run_scoped3A = tpu.sem_alloc : memref<!tpu.dma_semaphore, #tpu.memory_space<semaphore_mem>>
      %dma_start3A_119 = arith.constant 0 : i32
      %dma_start3A_120 = tpu.memref_slice %arg2[%dma_start3A_119, %mul3A_2] : memref<200x4096xi32, #tpu.memory_space<hbm>> -> memref<200x128xi32, #tpu.memory_space<hbm>>
      %dma_start3A_121 = arith.constant 0 : i32
      %dma_start3A_122 = tpu.memref_slice %arg2[%dma_start3A_121, %mul3A_2] : memref<200x4096xi32, #tpu.memory_space<hbm>> -> memref<200x128xi32, #tpu.memory_space<hbm>>
      tpu.enqueue_dma source(%dma_start3A_122 : memref<200x128xi32, #tpu.memory_space<hbm>>) target(%arg6 : memref<200x128xi32, #tpu.memory_space<vmem>>) target_semaphore(%run_scoped3A : memref<!tpu.dma_semaphore, #tpu.memory_space<semaphore_mem>>)
      %dma_wait3A_123 = arith.constant 0 : i32
      %dma_wait3A_124 = tpu.memref_slice %arg2[%dma_wait3A_123, %mul3A_2] : memref<200x4096xi32, #tpu.memory_space<hbm>> -> memref<200x128xi32, #tpu.memory_space<hbm>>
      %dma_wait3A_125 = arith.constant 0 : i32
      %dma_wait3A_126 = tpu.memref_slice %arg2[%dma_wait3A_125, %mul3A_2] : memref<200x4096xi32, #tpu.memory_space<hbm>> -> memref<200x128xi32, #tpu.memory_space<hbm>>
      tpu.wait_dma2 semaphore(%run_scoped3A : memref<!tpu.dma_semaphore, #tpu.memory_space<semaphore_mem>>) src(%dma_wait3A_126 : memref<200x128xi32, #tpu.memory_space<hbm>>) dst(%arg6 : memref<200x128xi32, #tpu.memory_space<vmem>>)
      tpu.yield
    }) : () -> ()
    %dma_start3A = arith.constant 0 : i32
    %dma_start3A_3 = arith.constant 0 : i32
    %dma_start3A_4 = arith.constant 0 : i32
    %dma_start3A_5 = arith.constant 0 : i32
    %dma_start3A_6 = tpu.memref_slice %arg7[%dma_start3A_3, %dma_start3A_4, %dma_start3A_5] : memref<4x128x128xf32, #tpu.memory_space<vmem>> -> memref<1x128x128xf32, #tpu.memory_space<vmem>>
    %dma_start3A_7 = tpu.memref_squeeze %dma_start3A_6 : memref<1x128x128xf32, #tpu.memory_space<vmem>> -> memref<128x128xf32, #tpu.memory_space<vmem>>
    %dma_start3A_8 = arith.constant 0 : i32
    %dma_start3A_9 = tpu.memref_slice %arg6[%dma_start3A, %dma_start3A_8] : memref<200x128xi32, #tpu.memory_space<vmem>> -> memref<1x128xi32, #tpu.memory_space<vmem>>
    %dma_start3A_10 = tpu.memref_squeeze %dma_start3A_9 : memref<1x128xi32, #tpu.memory_space<vmem>> -> memref<128xi32, #tpu.memory_space<vmem>>
    %dma_start3A_11 = arith.constant 0 : i32
    %dma_start3A_12 = arith.constant 0 : i32
    %dma_start3A_13 = tpu.memref_slice %arg3[%dma_start3A_11, %dma_start3A_12] : memref<1000000x128xf32, #tpu.memory_space<hbm>> -> memref<1000000x128xf32, #tpu.memory_space<hbm>>
    tpu.enqueue_indirect_dma source(%dma_start3A_13 : memref<1000000x128xf32, #tpu.memory_space<hbm>>) target(%dma_start3A_7 : memref<128x128xf32, #tpu.memory_space<vmem>>) offsets(%dma_start3A_10 : memref<128xi32, #tpu.memory_space<vmem>>) semaphore(%arg10 : memref<!tpu.dma_semaphore, #tpu.memory_space<semaphore_mem>>)
    %dma_start3A_14 = arith.constant 1 : i32
    %dma_start3A_15 = arith.constant 1 : i32
    %dma_start3A_16 = arith.constant 0 : i32
    %dma_start3A_17 = arith.constant 0 : i32
    %dma_start3A_18 = tpu.memref_slice %arg7[%dma_start3A_15, %dma_start3A_16, %dma_start3A_17] : memref<4x128x128xf32, #tpu.memory_space<vmem>> -> memref<1x128x128xf32, #tpu.memory_space<vmem>>
    %dma_start3A_19 = tpu.memref_squeeze %dma_start3A_18 : memref<1x128x128xf32, #tpu.memory_space<vmem>> -> memref<128x128xf32, #tpu.memory_space<vmem>>
    %dma_start3A_20 = arith.constant 0 : i32
    %dma_start3A_21 = tpu.memref_slice %arg6[%dma_start3A_14, %dma_start3A_20] : memref<200x128xi32, #tpu.memory_space<vmem>> -> memref<1x128xi32, #tpu.memory_space<vmem>>
    %dma_start3A_22 = tpu.memref_squeeze %dma_start3A_21 : memref<1x128xi32, #tpu.memory_space<vmem>> -> memref<128xi32, #tpu.memory_space<vmem>>
    %dma_start3A_23 = arith.constant 0 : i32
    %dma_start3A_24 = arith.constant 0 : i32
    %dma_start3A_25 = tpu.memref_slice %arg3[%dma_start3A_23, %dma_start3A_24] : memref<1000000x128xf32, #tpu.memory_space<hbm>> -> memref<1000000x128xf32, #tpu.memory_space<hbm>>
    tpu.enqueue_indirect_dma source(%dma_start3A_25 : memref<1000000x128xf32, #tpu.memory_space<hbm>>) target(%dma_start3A_19 : memref<128x128xf32, #tpu.memory_space<vmem>>) offsets(%dma_start3A_22 : memref<128xi32, #tpu.memory_space<vmem>>) semaphore(%arg11 : memref<!tpu.dma_semaphore, #tpu.memory_space<semaphore_mem>>)
    %dma_start3A_26 = arith.constant 2 : i32
    %dma_start3A_27 = arith.constant 2 : i32
    %dma_start3A_28 = arith.constant 0 : i32
    %dma_start3A_29 = arith.constant 0 : i32
    %dma_start3A_30 = tpu.memref_slice %arg7[%dma_start3A_27, %dma_start3A_28, %dma_start3A_29] : memref<4x128x128xf32, #tpu.memory_space<vmem>> -> memref<1x128x128xf32, #tpu.memory_space<vmem>>
    %dma_start3A_31 = tpu.memref_squeeze %dma_start3A_30 : memref<1x128x128xf32, #tpu.memory_space<vmem>> -> memref<128x128xf32, #tpu.memory_space<vmem>>
    %dma_start3A_32 = arith.constant 0 : i32
    %dma_start3A_33 = tpu.memref_slice %arg6[%dma_start3A_26, %dma_start3A_32] : memref<200x128xi32, #tpu.memory_space<vmem>> -> memref<1x128xi32, #tpu.memory_space<vmem>>
    %dma_start3A_34 = tpu.memref_squeeze %dma_start3A_33 : memref<1x128xi32, #tpu.memory_space<vmem>> -> memref<128xi32, #tpu.memory_space<vmem>>
    %dma_start3A_35 = arith.constant 0 : i32
    %dma_start3A_36 = arith.constant 0 : i32
    %dma_start3A_37 = tpu.memref_slice %arg3[%dma_start3A_35, %dma_start3A_36] : memref<1000000x128xf32, #tpu.memory_space<hbm>> -> memref<1000000x128xf32, #tpu.memory_space<hbm>>
    tpu.enqueue_indirect_dma source(%dma_start3A_37 : memref<1000000x128xf32, #tpu.memory_space<hbm>>) target(%dma_start3A_31 : memref<128x128xf32, #tpu.memory_space<vmem>>) offsets(%dma_start3A_34 : memref<128xi32, #tpu.memory_space<vmem>>) semaphore(%arg12 : memref<!tpu.dma_semaphore, #tpu.memory_space<semaphore_mem>>)
    %dma_start3A_38 = arith.constant 3 : i32
    %dma_start3A_39 = arith.constant 3 : i32
    %dma_start3A_40 = arith.constant 0 : i32
    %dma_start3A_41 = arith.constant 0 : i32
    %dma_start3A_42 = tpu.memref_slice %arg7[%dma_start3A_39, %dma_start3A_40, %dma_start3A_41] : memref<4x128x128xf32, #tpu.memory_space<vmem>> -> memref<1x128x128xf32, #tpu.memory_space<vmem>>
    %dma_start3A_43 = tpu.memref_squeeze %dma_start3A_42 : memref<1x128x128xf32, #tpu.memory_space<vmem>> -> memref<128x128xf32, #tpu.memory_space<vmem>>
    %dma_start3A_44 = arith.constant 0 : i32
    %dma_start3A_45 = tpu.memref_slice %arg6[%dma_start3A_38, %dma_start3A_44] : memref<200x128xi32, #tpu.memory_space<vmem>> -> memref<1x128xi32, #tpu.memory_space<vmem>>
    %dma_start3A_46 = tpu.memref_squeeze %dma_start3A_45 : memref<1x128xi32, #tpu.memory_space<vmem>> -> memref<128xi32, #tpu.memory_space<vmem>>
    %dma_start3A_47 = arith.constant 0 : i32
    %dma_start3A_48 = arith.constant 0 : i32
    %dma_start3A_49 = tpu.memref_slice %arg3[%dma_start3A_47, %dma_start3A_48] : memref<1000000x128xf32, #tpu.memory_space<hbm>> -> memref<1000000x128xf32, #tpu.memory_space<hbm>>
    tpu.enqueue_indirect_dma source(%dma_start3A_49 : memref<1000000x128xf32, #tpu.memory_space<hbm>>) target(%dma_start3A_43 : memref<128x128xf32, #tpu.memory_space<vmem>>) offsets(%dma_start3A_46 : memref<128xi32, #tpu.memory_space<vmem>>) semaphore(%arg13 : memref<!tpu.dma_semaphore, #tpu.memory_space<semaphore_mem>>)
    %scan3A = arith.constant 0 : i32
    %scan3A_50 = arith.constant 0 : i32
    %scan3A_51 = arith.constant 50 : i32
    %scan3A_52 = arith.addi %scan3A_50, %scan3A_51 : i32
    %scan3A_53 = arith.constant 1 : i32
    %scan3A_54 = scf.for %scan3A_119 = %scan3A_50 to %scan3A_52 step %scan3A_53 iter_args(%scan3A_120 = %scan3A) -> (i32)  : i32 {
      %mul3A_121 = arith.constant 4 : i32
      %mul3A_122 = arith.muli %scan3A_119, %mul3A_121 : i32
      %add3A_123 = arith.constant 0 : i32
      %add3A_124 = arith.addi %mul3A_122, %add3A_123 : i32
      %dma_wait3A_125 = arith.constant 0 : i32
      %dma_wait3A_126 = arith.constant 0 : i32
      %dma_wait3A_127 = arith.constant 0 : i32
      %dma_wait3A_128 = arith.constant 0 : i32
      %dma_wait3A_129 = tpu.memref_slice %arg7[%dma_wait3A_126, %dma_wait3A_127, %dma_wait3A_128] : memref<4x128x128xf32, #tpu.memory_space<vmem>> -> memref<1x128x128xf32, #tpu.memory_space<vmem>>
      %dma_wait3A_130 = tpu.memref_squeeze %dma_wait3A_129 : memref<1x128x128xf32, #tpu.memory_space<vmem>> -> memref<128x128xf32, #tpu.memory_space<vmem>>
      %dma_wait3A_131 = arith.constant 0 : i32
      %dma_wait3A_132 = tpu.memref_slice %arg6[%dma_wait3A_125, %dma_wait3A_131] : memref<200x128xi32, #tpu.memory_space<vmem>> -> memref<1x128xi32, #tpu.memory_space<vmem>>
      %dma_wait3A_133 = tpu.memref_squeeze %dma_wait3A_132 : memref<1x128xi32, #tpu.memory_space<vmem>> -> memref<128xi32, #tpu.memory_space<vmem>>
      %dma_wait3A_134 = arith.constant 0 : i32
      %dma_wait3A_135 = arith.constant 0 : i32
      %dma_wait3A_136 = tpu.memref_slice %arg3[%dma_wait3A_134, %dma_wait3A_135] : memref<1000000x128xf32, #tpu.memory_space<hbm>> -> memref<1000000x128xf32, #tpu.memory_space<hbm>>
      tpu.wait_indirect_dma semaphore(%arg10 : memref<!tpu.dma_semaphore, #tpu.memory_space<semaphore_mem>>) src(%dma_wait3A_136 : memref<1000000x128xf32, #tpu.memory_space<hbm>>) dst(%dma_wait3A_130 : memref<128x128xf32, #tpu.memory_space<vmem>>)
      %gt3A = arith.constant 0 : i32
      %gt3A_137 = arith.cmpi sgt, %scan3A_119, %gt3A : i32
      %convert_element_type3A = arith.extui %gt3A_137 : i1 to i32
      %cond3A = arith.constant 0 : i32
      %cond3A_138 = arith.cmpi ne, %convert_element_type3A, %cond3A : i32
      scf.if %cond3A_138 {
        %dma_wait3A_359 = arith.constant 0 : i32
        %dma_wait3A_360 = arith.constant 0 : i32
        %dma_wait3A_361 = arith.constant 0 : i32
        %dma_wait3A_362 = arith.constant 0 : i32
        %dma_wait3A_363 = tpu.memref_slice %arg8[%dma_wait3A_359, %dma_wait3A_361, %dma_wait3A_362] : memref<4x32x129xf32, #tpu.memory_space<vmem>> -> memref<1x32x128xf32, #tpu.memory_space<vmem>>
        %dma_wait3A_364 = tpu.memref_squeeze %dma_wait3A_363 : memref<1x32x128xf32, #tpu.memory_space<vmem>> -> memref<32x128xf32, #tpu.memory_space<vmem>>
        %dma_wait3A_365 = arith.constant 0 : i32
        %dma_wait3A_366 = tpu.memref_slice %arg5[%dma_wait3A_360, %dma_wait3A_365, %mul3A_2] : memref<200x32x4096xf32, #tpu.memory_space<hbm>> -> memref<1x32x128xf32, #tpu.memory_space<hbm>>
        %dma_wait3A_367 = tpu.memref_squeeze %dma_wait3A_366 : memref<1x32x128xf32, #tpu.memory_space<hbm>> -> memref<32x128xf32, #tpu.memory_space<hbm>>
        %dma_wait3A_368 = arith.constant 0 : i32
        %dma_wait3A_369 = tpu.memref_slice %arg5[%dma_wait3A_360, %dma_wait3A_368, %mul3A_2] : memref<200x32x4096xf32, #tpu.memory_space<hbm>> -> memref<1x32x128xf32, #tpu.memory_space<hbm>>
        %dma_wait3A_370 = tpu.memref_squeeze %dma_wait3A_369 : memref<1x32x128xf32, #tpu.memory_space<hbm>> -> memref<32x128xf32, #tpu.memory_space<hbm>>
        %dma_wait3A_371 = arith.constant 0 : i32
        %dma_wait3A_372 = arith.constant 0 : i32
        %dma_wait3A_373 = tpu.memref_slice %arg8[%dma_wait3A_359, %dma_wait3A_371, %dma_wait3A_372] : memref<4x32x129xf32, #tpu.memory_space<vmem>> -> memref<1x32x128xf32, #tpu.memory_space<vmem>>
        %dma_wait3A_374 = tpu.memref_squeeze %dma_wait3A_373 : memref<1x32x128xf32, #tpu.memory_space<vmem>> -> memref<32x128xf32, #tpu.memory_space<vmem>>
        tpu.wait_dma2 semaphore(%arg14 : memref<!tpu.dma_semaphore, #tpu.memory_space<semaphore_mem>>) src(%dma_wait3A_374 : memref<32x128xf32, #tpu.memory_space<vmem>>) dst(%dma_wait3A_370 : memref<32x128xf32, #tpu.memory_space<hbm>>)
      } else {
      }
      %mul3A_139 = arith.constant 32 : i32
      %mul3A_140 = arith.muli %add3A_124, %mul3A_139 : i32
      %get3A = arith.index_cast %mul3A_140 : i32 to index
      %get3A_141 = tpu.vector_load %arg9[%get3A] {strides = array<i32>} : memref<6400xf32, #tpu.memory_space<vmem>>, vector<16xf32>,
      %mul3A_142 = arith.constant 32 : i32
      %mul3A_143 = arith.muli %add3A_124, %mul3A_142 : i32
      %add3A_144 = arith.constant 16 : i32
      %add3A_145 = arith.addi %mul3A_143, %add3A_144 : i32
      %get3A_146 = arith.index_cast %add3A_145 : i32 to index
      %get3A_147 = tpu.vector_load %arg9[%get3A_146] {strides = array<i32>} : memref<6400xf32, #tpu.memory_space<vmem>>, vector<16xf32>,
      %broadcast_in_dim3A = arith.constant 0 : i32
      %broadcast_in_dim3A_148 = vector.broadcast %broadcast_in_dim3A : i32 to vector<16xi32>
      %add3A_149 = arith.constant 16 : i32
      %add3A_150 = vector.broadcast %add3A_149 : i32 to vector<16xi32>
      %add3A_151 = arith.addi %iota3A, %add3A_150 : vector<16xi32>
      %parallel_loop3A = arith.constant 0 : i32
      %parallel_loop3A_152 = arith.constant 128 : i32
      %parallel_loop3A_153 = arith.constant 1 : i32
      scf.for %parallel_loop3A_359 = %parallel_loop3A to %parallel_loop3A_152 step %parallel_loop3A_153  : i32 {
        %parallel_loop3A_360 = arith.constant 0 : i32
        %parallel_loop3A_361 = arith.index_cast %parallel_loop3A_360 : i32 to index
        %parallel_loop3A_362 = arith.index_cast %parallel_loop3A_359 : i32 to index
        %parallel_loop3A_363 = arith.constant 0 : index
        %parallel_loop3A_364 = tpu.vector_load %arg7[%parallel_loop3A_361, %parallel_loop3A_362, %parallel_loop3A_363] {strides = array<i32>} : memref<4x128x128xf32, #tpu.memory_space<vmem>>, vector<16xf32>,
        %parallel_loop3A_365 = arith.constant 0 : i32
        %parallel_loop3A_366 = arith.index_cast %parallel_loop3A_365 : i32 to index
        %parallel_loop3A_367 = arith.index_cast %parallel_loop3A_359 : i32 to index
        %parallel_loop3A_368 = arith.constant 16 : index
        %parallel_loop3A_369 = tpu.vector_load %arg7[%parallel_loop3A_366, %parallel_loop3A_367, %parallel_loop3A_368] {strides = array<i32>} : memref<4x128x128xf32, #tpu.memory_space<vmem>>, vector<16xf32>,
        %parallel_loop3A_370 = vector.broadcast %parallel_loop3A_359 : i32 to vector<16xi32>
        %parallel_loop3A_371 = arith.constant 5.65685415 : f32
        %parallel_loop3A_372 = vector.broadcast %parallel_loop3A_371 : f32 to vector<16xf32>
        %parallel_loop3A_373 = arith.mulf %parallel_loop3A_364, %parallel_loop3A_372 : vector<16xf32>
        %parallel_loop3A_374 = arith.addf %parallel_loop3A_373, %get3A_141 : vector<16xf32>
        tpu.vector_store_idx %arg8[%broadcast_in_dim3A_148, %iota3A, %parallel_loop3A_370], %parallel_loop3A_374 : memref<4x32x129xf32, #tpu.memory_space<vmem>>[vector<16xi32>, vector<16xi32>, vector<16xi32>], vector<16xf32>,
        %parallel_loop3A_375 = arith.constant 5.65685415 : f32
        %parallel_loop3A_376 = vector.broadcast %parallel_loop3A_375 : f32 to vector<16xf32>
        %parallel_loop3A_377 = arith.mulf %parallel_loop3A_369, %parallel_loop3A_376 : vector<16xf32>
        %parallel_loop3A_378 = arith.addf %parallel_loop3A_377, %get3A_147 : vector<16xf32>
        tpu.vector_store_idx %arg8[%broadcast_in_dim3A_148, %add3A_151, %parallel_loop3A_370], %parallel_loop3A_378 : memref<4x32x129xf32, #tpu.memory_space<vmem>>[vector<16xi32>, vector<16xi32>, vector<16xi32>], vector<16xf32>,
      } {sc.loop_unroll_factor = 8 : i64, sc.parallel_access}
      %dma_start3A_154 = arith.constant 0 : i32
      %dma_start3A_155 = arith.constant 0 : i32
      %dma_start3A_156 = arith.constant 0 : i32
      %dma_start3A_157 = tpu.memref_slice %arg8[%dma_start3A_154, %dma_start3A_155, %dma_start3A_156] : memref<4x32x129xf32, #tpu.memory_space<vmem>> -> memref<1x32x128xf32, #tpu.memory_space<vmem>>
      %dma_start3A_158 = tpu.memref_squeeze %dma_start3A_157 : memref<1x32x128xf32, #tpu.memory_space<vmem>> -> memref<32x128xf32, #tpu.memory_space<vmem>>
      %dma_start3A_159 = arith.constant 0 : i32
      %dma_start3A_160 = tpu.memref_slice %arg5[%add3A_124, %dma_start3A_159, %mul3A_2] : memref<200x32x4096xf32, #tpu.memory_space<hbm>> -> memref<1x32x128xf32, #tpu.memory_space<hbm>>
      %dma_start3A_161 = tpu.memref_squeeze %dma_start3A_160 : memref<1x32x128xf32, #tpu.memory_space<hbm>> -> memref<32x128xf32, #tpu.memory_space<hbm>>
      %dma_start3A_162 = arith.constant 0 : i32
      %dma_start3A_163 = tpu.memref_slice %arg5[%add3A_124, %dma_start3A_162, %mul3A_2] : memref<200x32x4096xf32, #tpu.memory_space<hbm>> -> memref<1x32x128xf32, #tpu.memory_space<hbm>>
      %dma_start3A_164 = tpu.memref_squeeze %dma_start3A_163 : memref<1x32x128xf32, #tpu.memory_space<hbm>> -> memref<32x128xf32, #tpu.memory_space<hbm>>
      %dma_start3A_165 = arith.constant 0 : i32
      %dma_start3A_166 = arith.constant 0 : i32
      %dma_start3A_167 = tpu.memref_slice %arg8[%dma_start3A_154, %dma_start3A_165, %dma_start3A_166] : memref<4x32x129xf32, #tpu.memory_space<vmem>> -> memref<1x32x128xf32, #tpu.memory_space<vmem>>
      %dma_start3A_168 = tpu.memref_squeeze %dma_start3A_167 : memref<1x32x128xf32, #tpu.memory_space<vmem>> -> memref<32x128xf32, #tpu.memory_space<vmem>>
      tpu.enqueue_dma source(%dma_start3A_168 : memref<32x128xf32, #tpu.memory_space<vmem>>) target(%dma_start3A_164 : memref<32x128xf32, #tpu.memory_space<hbm>>) target_semaphore(%arg14 : memref<!tpu.dma_semaphore, #tpu.memory_space<semaphore_mem>>)
      %add3A_169 = arith.constant 4 : i32
      %add3A_170 = arith.addi %add3A_124, %add3A_169 : i32
      %lt3A = arith.constant 200 : i32
      %lt3A_171 = arith.cmpi slt, %add3A_170, %lt3A : i32
      %convert_element_type3A_172 = arith.extui %lt3A_171 : i1 to i32
      %cond3A_173 = arith.constant 0 : i32
      %cond3A_174 = arith.cmpi ne, %convert_element_type3A_172, %cond3A_173 : i32
      scf.if %cond3A_174 {
        %add3A_359 = arith.constant 4 : i32
        %add3A_360 = arith.addi %add3A_124, %add3A_359 : i32
        %dma_start3A_361 = arith.constant 0 : i32
        %dma_start3A_362 = arith.constant 0 : i32
        %dma_start3A_363 = arith.constant 0 : i32
        %dma_start3A_364 = tpu.memref_slice %arg7[%dma_start3A_361, %dma_start3A_362, %dma_start3A_363] : memref<4x128x128xf32, #tpu.memory_space<vmem>> -> memref<1x128x128xf32, #tpu.memory_space<vmem>>
        %dma_start3A_365 = tpu.memref_squeeze %dma_start3A_364 : memref<1x128x128xf32, #tpu.memory_space<vmem>> -> memref<128x128xf32, #tpu.memory_space<vmem>>
        %dma_start3A_366 = arith.constant 0 : i32
        %dma_start3A_367 = tpu.memref_slice %arg6[%add3A_360, %dma_start3A_366] : memref<200x128xi32, #tpu.memory_space<vmem>> -> memref<1x128xi32, #tpu.memory_space<vmem>>
        %dma_start3A_368 = tpu.memref_squeeze %dma_start3A_367 : memref<1x128xi32, #tpu.memory_space<vmem>> -> memref<128xi32, #tpu.memory_space<vmem>>
        %dma_start3A_369 = arith.constant 0 : i32
        %dma_start3A_370 = arith.constant 0 : i32
        %dma_start3A_371 = tpu.memref_slice %arg3[%dma_start3A_369, %dma_start3A_370] : memref<1000000x128xf32, #tpu.memory_space<hbm>> -> memref<1000000x128xf32, #tpu.memory_space<hbm>>
        tpu.enqueue_indirect_dma source(%dma_start3A_371 : memref<1000000x128xf32, #tpu.memory_space<hbm>>) target(%dma_start3A_365 : memref<128x128xf32, #tpu.memory_space<vmem>>) offsets(%dma_start3A_368 : memref<128xi32, #tpu.memory_space<vmem>>) semaphore(%arg10 : memref<!tpu.dma_semaphore, #tpu.memory_space<semaphore_mem>>)
      } else {
      }
      %mul3A_175 = arith.constant 4 : i32
      %mul3A_176 = arith.muli %scan3A_119, %mul3A_175 : i32
      %add3A_177 = arith.constant 1 : i32
      %add3A_178 = arith.addi %mul3A_176, %add3A_177 : i32
      %dma_wait3A_179 = arith.constant 0 : i32
      %dma_wait3A_180 = arith.constant 1 : i32
      %dma_wait3A_181 = arith.constant 0 : i32
      %dma_wait3A_182 = arith.constant 0 : i32
      %dma_wait3A_183 = tpu.memref_slice %arg7[%dma_wait3A_180, %dma_wait3A_181, %dma_wait3A_182] : memref<4x128x128xf32, #tpu.memory_space<vmem>> -> memref<1x128x128xf32, #tpu.memory_space<vmem>>
      %dma_wait3A_184 = tpu.memref_squeeze %dma_wait3A_183 : memref<1x128x128xf32, #tpu.memory_space<vmem>> -> memref<128x128xf32, #tpu.memory_space<vmem>>
      %dma_wait3A_185 = arith.constant 0 : i32
      %dma_wait3A_186 = tpu.memref_slice %arg6[%dma_wait3A_179, %dma_wait3A_185] : memref<200x128xi32, #tpu.memory_space<vmem>> -> memref<1x128xi32, #tpu.memory_space<vmem>>
      %dma_wait3A_187 = tpu.memref_squeeze %dma_wait3A_186 : memref<1x128xi32, #tpu.memory_space<vmem>> -> memref<128xi32, #tpu.memory_space<vmem>>
      %dma_wait3A_188 = arith.constant 0 : i32
      %dma_wait3A_189 = arith.constant 0 : i32
      %dma_wait3A_190 = tpu.memref_slice %arg3[%dma_wait3A_188, %dma_wait3A_189] : memref<1000000x128xf32, #tpu.memory_space<hbm>> -> memref<1000000x128xf32, #tpu.memory_space<hbm>>
      tpu.wait_indirect_dma semaphore(%arg11 : memref<!tpu.dma_semaphore, #tpu.memory_space<semaphore_mem>>) src(%dma_wait3A_190 : memref<1000000x128xf32, #tpu.memory_space<hbm>>) dst(%dma_wait3A_184 : memref<128x128xf32, #tpu.memory_space<vmem>>)
      %gt3A_191 = arith.constant 0 : i32
      %gt3A_192 = arith.cmpi sgt, %scan3A_119, %gt3A_191 : i32
      %convert_element_type3A_193 = arith.extui %gt3A_192 : i1 to i32
      %cond3A_194 = arith.constant 0 : i32
      %cond3A_195 = arith.cmpi ne, %convert_element_type3A_193, %cond3A_194 : i32
      scf.if %cond3A_195 {
        %dma_wait3A_359 = arith.constant 1 : i32
        %dma_wait3A_360 = arith.constant 0 : i32
        %dma_wait3A_361 = arith.constant 0 : i32
        %dma_wait3A_362 = arith.constant 0 : i32
        %dma_wait3A_363 = tpu.memref_slice %arg8[%dma_wait3A_359, %dma_wait3A_361, %dma_wait3A_362] : memref<4x32x129xf32, #tpu.memory_space<vmem>> -> memref<1x32x128xf32, #tpu.memory_space<vmem>>
        %dma_wait3A_364 = tpu.memref_squeeze %dma_wait3A_363 : memref<1x32x128xf32, #tpu.memory_space<vmem>> -> memref<32x128xf32, #tpu.memory_space<vmem>>
        %dma_wait3A_365 = arith.constant 0 : i32
        %dma_wait3A_366 = tpu.memref_slice %arg5[%dma_wait3A_360, %dma_wait3A_365, %mul3A_2] : memref<200x32x4096xf32, #tpu.memory_space<hbm>> -> memref<1x32x128xf32, #tpu.memory_space<hbm>>
        %dma_wait3A_367 = tpu.memref_squeeze %dma_wait3A_366 : memref<1x32x128xf32, #tpu.memory_space<hbm>> -> memref<32x128xf32, #tpu.memory_space<hbm>>
        %dma_wait3A_368 = arith.constant 0 : i32
        %dma_wait3A_369 = tpu.memref_slice %arg5[%dma_wait3A_360, %dma_wait3A_368, %mul3A_2] : memref<200x32x4096xf32, #tpu.memory_space<hbm>> -> memref<1x32x128xf32, #tpu.memory_space<hbm>>
        %dma_wait3A_370 = tpu.memref_squeeze %dma_wait3A_369 : memref<1x32x128xf32, #tpu.memory_space<hbm>> -> memref<32x128xf32, #tpu.memory_space<hbm>>
        %dma_wait3A_371 = arith.constant 0 : i32
        %dma_wait3A_372 = arith.constant 0 : i32
        %dma_wait3A_373 = tpu.memref_slice %arg8[%dma_wait3A_359, %dma_wait3A_371, %dma_wait3A_372] : memref<4x32x129xf32, #tpu.memory_space<vmem>> -> memref<1x32x128xf32, #tpu.memory_space<vmem>>
        %dma_wait3A_374 = tpu.memref_squeeze %dma_wait3A_373 : memref<1x32x128xf32, #tpu.memory_space<vmem>> -> memref<32x128xf32, #tpu.memory_space<vmem>>
        tpu.wait_dma2 semaphore(%arg15 : memref<!tpu.dma_semaphore, #tpu.memory_space<semaphore_mem>>) src(%dma_wait3A_374 : memref<32x128xf32, #tpu.memory_space<vmem>>) dst(%dma_wait3A_370 : memref<32x128xf32, #tpu.memory_space<hbm>>)
      } else {
      }
      %mul3A_196 = arith.constant 32 : i32
      %mul3A_197 = arith.muli %add3A_178, %mul3A_196 : i32
      %get3A_198 = arith.index_cast %mul3A_197 : i32 to index
      %get3A_199 = tpu.vector_load %arg9[%get3A_198] {strides = array<i32>} : memref<6400xf32, #tpu.memory_space<vmem>>, vector<16xf32>,
      %mul3A_200 = arith.constant 32 : i32
      %mul3A_201 = arith.muli %add3A_178, %mul3A_200 : i32
      %add3A_202 = arith.constant 16 : i32
      %add3A_203 = arith.addi %mul3A_201, %add3A_202 : i32
      %get3A_204 = arith.index_cast %add3A_203 : i32 to index
      %get3A_205 = tpu.vector_load %arg9[%get3A_204] {strides = array<i32>} : memref<6400xf32, #tpu.memory_space<vmem>>, vector<16xf32>,
      %broadcast_in_dim3A_206 = arith.constant 1 : i32
      %broadcast_in_dim3A_207 = vector.broadcast %broadcast_in_dim3A_206 : i32 to vector<16xi32>
      %add3A_208 = arith.constant 16 : i32
      %add3A_209 = vector.broadcast %add3A_208 : i32 to vector<16xi32>
      %add3A_210 = arith.addi %iota3A, %add3A_209 : vector<16xi32>
      %parallel_loop3A_211 = arith.constant 0 : i32
      %parallel_loop3A_212 = arith.constant 128 : i32
      %parallel_loop3A_213 = arith.constant 1 : i32
      scf.for %parallel_loop3A_359 = %parallel_loop3A_211 to %parallel_loop3A_212 step %parallel_loop3A_213  : i32 {
        %parallel_loop3A_360 = arith.constant 1 : i32
        %parallel_loop3A_361 = arith.index_cast %parallel_loop3A_360 : i32 to index
        %parallel_loop3A_362 = arith.index_cast %parallel_loop3A_359 : i32 to index
        %parallel_loop3A_363 = arith.constant 0 : index
        %parallel_loop3A_364 = tpu.vector_load %arg7[%parallel_loop3A_361, %parallel_loop3A_362, %parallel_loop3A_363] {strides = array<i32>} : memref<4x128x128xf32, #tpu.memory_space<vmem>>, vector<16xf32>,
        %parallel_loop3A_365 = arith.constant 1 : i32
        %parallel_loop3A_366 = arith.index_cast %parallel_loop3A_365 : i32 to index
        %parallel_loop3A_367 = arith.index_cast %parallel_loop3A_359 : i32 to index
        %parallel_loop3A_368 = arith.constant 16 : index
        %parallel_loop3A_369 = tpu.vector_load %arg7[%parallel_loop3A_366, %parallel_loop3A_367, %parallel_loop3A_368] {strides = array<i32>} : memref<4x128x128xf32, #tpu.memory_space<vmem>>, vector<16xf32>,
        %parallel_loop3A_370 = vector.broadcast %parallel_loop3A_359 : i32 to vector<16xi32>
        %parallel_loop3A_371 = arith.constant 5.65685415 : f32
        %parallel_loop3A_372 = vector.broadcast %parallel_loop3A_371 : f32 to vector<16xf32>
        %parallel_loop3A_373 = arith.mulf %parallel_loop3A_364, %parallel_loop3A_372 : vector<16xf32>
        %parallel_loop3A_374 = arith.addf %parallel_loop3A_373, %get3A_199 : vector<16xf32>
        tpu.vector_store_idx %arg8[%broadcast_in_dim3A_207, %iota3A, %parallel_loop3A_370], %parallel_loop3A_374 : memref<4x32x129xf32, #tpu.memory_space<vmem>>[vector<16xi32>, vector<16xi32>, vector<16xi32>], vector<16xf32>,
        %parallel_loop3A_375 = arith.constant 5.65685415 : f32
        %parallel_loop3A_376 = vector.broadcast %parallel_loop3A_375 : f32 to vector<16xf32>
        %parallel_loop3A_377 = arith.mulf %parallel_loop3A_369, %parallel_loop3A_376 : vector<16xf32>
        %parallel_loop3A_378 = arith.addf %parallel_loop3A_377, %get3A_205 : vector<16xf32>
        tpu.vector_store_idx %arg8[%broadcast_in_dim3A_207, %add3A_210, %parallel_loop3A_370], %parallel_loop3A_378 : memref<4x32x129xf32, #tpu.memory_space<vmem>>[vector<16xi32>, vector<16xi32>, vector<16xi32>], vector<16xf32>,
      } {sc.loop_unroll_factor = 8 : i64, sc.parallel_access}
      %dma_start3A_214 = arith.constant 1 : i32
      %dma_start3A_215 = arith.constant 0 : i32
      %dma_start3A_216 = arith.constant 0 : i32
      %dma_start3A_217 = tpu.memref_slice %arg8[%dma_start3A_214, %dma_start3A_215, %dma_start3A_216] : memref<4x32x129xf32, #tpu.memory_space<vmem>> -> memref<1x32x128xf32, #tpu.memory_space<vmem>>
      %dma_start3A_218 = tpu.memref_squeeze %dma_start3A_217 : memref<1x32x128xf32, #tpu.memory_space<vmem>> -> memref<32x128xf32, #tpu.memory_space<vmem>>
      %dma_start3A_219 = arith.constant 0 : i32
      %dma_start3A_220 = tpu.memref_slice %arg5[%add3A_178, %dma_start3A_219, %mul3A_2] : memref<200x32x4096xf32, #tpu.memory_space<hbm>> -> memref<1x32x128xf32, #tpu.memory_space<hbm>>
      %dma_start3A_221 = tpu.memref_squeeze %dma_start3A_220 : memref<1x32x128xf32, #tpu.memory_space<hbm>> -> memref<32x128xf32, #tpu.memory_space<hbm>>
      %dma_start3A_222 = arith.constant 0 : i32
      %dma_start3A_223 = tpu.memref_slice %arg5[%add3A_178, %dma_start3A_222, %mul3A_2] : memref<200x32x4096xf32, #tpu.memory_space<hbm>> -> memref<1x32x128xf32, #tpu.memory_space<hbm>>
      %dma_start3A_224 = tpu.memref_squeeze %dma_start3A_223 : memref<1x32x128xf32, #tpu.memory_space<hbm>> -> memref<32x128xf32, #tpu.memory_space<hbm>>
      %dma_start3A_225 = arith.constant 0 : i32
      %dma_start3A_226 = arith.constant 0 : i32
      %dma_start3A_227 = tpu.memref_slice %arg8[%dma_start3A_214, %dma_start3A_225, %dma_start3A_226] : memref<4x32x129xf32, #tpu.memory_space<vmem>> -> memref<1x32x128xf32, #tpu.memory_space<vmem>>
      %dma_start3A_228 = tpu.memref_squeeze %dma_start3A_227 : memref<1x32x128xf32, #tpu.memory_space<vmem>> -> memref<32x128xf32, #tpu.memory_space<vmem>>
      tpu.enqueue_dma source(%dma_start3A_228 : memref<32x128xf32, #tpu.memory_space<vmem>>) target(%dma_start3A_224 : memref<32x128xf32, #tpu.memory_space<hbm>>) target_semaphore(%arg15 : memref<!tpu.dma_semaphore, #tpu.memory_space<semaphore_mem>>)
      %add3A_229 = arith.constant 4 : i32
      %add3A_230 = arith.addi %add3A_178, %add3A_229 : i32
      %lt3A_231 = arith.constant 200 : i32
      %lt3A_232 = arith.cmpi slt, %add3A_230, %lt3A_231 : i32
      %convert_element_type3A_233 = arith.extui %lt3A_232 : i1 to i32
      %cond3A_234 = arith.constant 0 : i32
      %cond3A_235 = arith.cmpi ne, %convert_element_type3A_233, %cond3A_234 : i32
      scf.if %cond3A_235 {
        %add3A_359 = arith.constant 4 : i32
        %add3A_360 = arith.addi %add3A_178, %add3A_359 : i32
        %dma_start3A_361 = arith.constant 1 : i32
        %dma_start3A_362 = arith.constant 0 : i32
        %dma_start3A_363 = arith.constant 0 : i32
        %dma_start3A_364 = tpu.memref_slice %arg7[%dma_start3A_361, %dma_start3A_362, %dma_start3A_363] : memref<4x128x128xf32, #tpu.memory_space<vmem>> -> memref<1x128x128xf32, #tpu.memory_space<vmem>>
        %dma_start3A_365 = tpu.memref_squeeze %dma_start3A_364 : memref<1x128x128xf32, #tpu.memory_space<vmem>> -> memref<128x128xf32, #tpu.memory_space<vmem>>
        %dma_start3A_366 = arith.constant 0 : i32
        %dma_start3A_367 = tpu.memref_slice %arg6[%add3A_360, %dma_start3A_366] : memref<200x128xi32, #tpu.memory_space<vmem>> -> memref<1x128xi32, #tpu.memory_space<vmem>>
        %dma_start3A_368 = tpu.memref_squeeze %dma_start3A_367 : memref<1x128xi32, #tpu.memory_space<vmem>> -> memref<128xi32, #tpu.memory_space<vmem>>
        %dma_start3A_369 = arith.constant 0 : i32
        %dma_start3A_370 = arith.constant 0 : i32
        %dma_start3A_371 = tpu.memref_slice %arg3[%dma_start3A_369, %dma_start3A_370] : memref<1000000x128xf32, #tpu.memory_space<hbm>> -> memref<1000000x128xf32, #tpu.memory_space<hbm>>
        tpu.enqueue_indirect_dma source(%dma_start3A_371 : memref<1000000x128xf32, #tpu.memory_space<hbm>>) target(%dma_start3A_365 : memref<128x128xf32, #tpu.memory_space<vmem>>) offsets(%dma_start3A_368 : memref<128xi32, #tpu.memory_space<vmem>>) semaphore(%arg11 : memref<!tpu.dma_semaphore, #tpu.memory_space<semaphore_mem>>)
      } else {
      }
      %mul3A_236 = arith.constant 4 : i32
      %mul3A_237 = arith.muli %scan3A_119, %mul3A_236 : i32
      %add3A_238 = arith.constant 2 : i32
      %add3A_239 = arith.addi %mul3A_237, %add3A_238 : i32
      %dma_wait3A_240 = arith.constant 0 : i32
      %dma_wait3A_241 = arith.constant 2 : i32
      %dma_wait3A_242 = arith.constant 0 : i32
      %dma_wait3A_243 = arith.constant 0 : i32
      %dma_wait3A_244 = tpu.memref_slice %arg7[%dma_wait3A_241, %dma_wait3A_242, %dma_wait3A_243] : memref<4x128x128xf32, #tpu.memory_space<vmem>> -> memref<1x128x128xf32, #tpu.memory_space<vmem>>
      %dma_wait3A_245 = tpu.memref_squeeze %dma_wait3A_244 : memref<1x128x128xf32, #tpu.memory_space<vmem>> -> memref<128x128xf32, #tpu.memory_space<vmem>>
      %dma_wait3A_246 = arith.constant 0 : i32
      %dma_wait3A_247 = tpu.memref_slice %arg6[%dma_wait3A_240, %dma_wait3A_246] : memref<200x128xi32, #tpu.memory_space<vmem>> -> memref<1x128xi32, #tpu.memory_space<vmem>>
      %dma_wait3A_248 = tpu.memref_squeeze %dma_wait3A_247 : memref<1x128xi32, #tpu.memory_space<vmem>> -> memref<128xi32, #tpu.memory_space<vmem>>
      %dma_wait3A_249 = arith.constant 0 : i32
      %dma_wait3A_250 = arith.constant 0 : i32
      %dma_wait3A_251 = tpu.memref_slice %arg3[%dma_wait3A_249, %dma_wait3A_250] : memref<1000000x128xf32, #tpu.memory_space<hbm>> -> memref<1000000x128xf32, #tpu.memory_space<hbm>>
      tpu.wait_indirect_dma semaphore(%arg12 : memref<!tpu.dma_semaphore, #tpu.memory_space<semaphore_mem>>) src(%dma_wait3A_251 : memref<1000000x128xf32, #tpu.memory_space<hbm>>) dst(%dma_wait3A_245 : memref<128x128xf32, #tpu.memory_space<vmem>>)
      %gt3A_252 = arith.constant 0 : i32
      %gt3A_253 = arith.cmpi sgt, %scan3A_119, %gt3A_252 : i32
      %convert_element_type3A_254 = arith.extui %gt3A_253 : i1 to i32
      %cond3A_255 = arith.constant 0 : i32
      %cond3A_256 = arith.cmpi ne, %convert_element_type3A_254, %cond3A_255 : i32
      scf.if %cond3A_256 {
        %dma_wait3A_359 = arith.constant 2 : i32
        %dma_wait3A_360 = arith.constant 0 : i32
        %dma_wait3A_361 = arith.constant 0 : i32
        %dma_wait3A_362 = arith.constant 0 : i32
        %dma_wait3A_363 = tpu.memref_slice %arg8[%dma_wait3A_359, %dma_wait3A_361, %dma_wait3A_362] : memref<4x32x129xf32, #tpu.memory_space<vmem>> -> memref<1x32x128xf32, #tpu.memory_space<vmem>>
        %dma_wait3A_364 = tpu.memref_squeeze %dma_wait3A_363 : memref<1x32x128xf32, #tpu.memory_space<vmem>> -> memref<32x128xf32, #tpu.memory_space<vmem>>
        %dma_wait3A_365 = arith.constant 0 : i32
        %dma_wait3A_366 = tpu.memref_slice %arg5[%dma_wait3A_360, %dma_wait3A_365, %mul3A_2] : memref<200x32x4096xf32, #tpu.memory_space<hbm>> -> memref<1x32x128xf32, #tpu.memory_space<hbm>>
        %dma_wait3A_367 = tpu.memref_squeeze %dma_wait3A_366 : memref<1x32x128xf32, #tpu.memory_space<hbm>> -> memref<32x128xf32, #tpu.memory_space<hbm>>
        %dma_wait3A_368 = arith.constant 0 : i32
        %dma_wait3A_369 = tpu.memref_slice %arg5[%dma_wait3A_360, %dma_wait3A_368, %mul3A_2] : memref<200x32x4096xf32, #tpu.memory_space<hbm>> -> memref<1x32x128xf32, #tpu.memory_space<hbm>>
        %dma_wait3A_370 = tpu.memref_squeeze %dma_wait3A_369 : memref<1x32x128xf32, #tpu.memory_space<hbm>> -> memref<32x128xf32, #tpu.memory_space<hbm>>
        %dma_wait3A_371 = arith.constant 0 : i32
        %dma_wait3A_372 = arith.constant 0 : i32
        %dma_wait3A_373 = tpu.memref_slice %arg8[%dma_wait3A_359, %dma_wait3A_371, %dma_wait3A_372] : memref<4x32x129xf32, #tpu.memory_space<vmem>> -> memref<1x32x128xf32, #tpu.memory_space<vmem>>
        %dma_wait3A_374 = tpu.memref_squeeze %dma_wait3A_373 : memref<1x32x128xf32, #tpu.memory_space<vmem>> -> memref<32x128xf32, #tpu.memory_space<vmem>>
        tpu.wait_dma2 semaphore(%arg16 : memref<!tpu.dma_semaphore, #tpu.memory_space<semaphore_mem>>) src(%dma_wait3A_374 : memref<32x128xf32, #tpu.memory_space<vmem>>) dst(%dma_wait3A_370 : memref<32x128xf32, #tpu.memory_space<hbm>>)
      } else {
      }
      %mul3A_257 = arith.constant 32 : i32
      %mul3A_258 = arith.muli %add3A_239, %mul3A_257 : i32
      %get3A_259 = arith.index_cast %mul3A_258 : i32 to index
      %get3A_260 = tpu.vector_load %arg9[%get3A_259] {strides = array<i32>} : memref<6400xf32, #tpu.memory_space<vmem>>, vector<16xf32>,
      %mul3A_261 = arith.constant 32 : i32
      %mul3A_262 = arith.muli %add3A_239, %mul3A_261 : i32
      %add3A_263 = arith.constant 16 : i32
      %add3A_264 = arith.addi %mul3A_262, %add3A_263 : i32
      %get3A_265 = arith.index_cast %add3A_264 : i32 to index
      %get3A_266 = tpu.vector_load %arg9[%get3A_265] {strides = array<i32>} : memref<6400xf32, #tpu.memory_space<vmem>>, vector<16xf32>,
      %broadcast_in_dim3A_267 = arith.constant 2 : i32
      %broadcast_in_dim3A_268 = vector.broadcast %broadcast_in_dim3A_267 : i32 to vector<16xi32>
      %add3A_269 = arith.constant 16 : i32
      %add3A_270 = vector.broadcast %add3A_269 : i32 to vector<16xi32>
      %add3A_271 = arith.addi %iota3A, %add3A_270 : vector<16xi32>
      %parallel_loop3A_272 = arith.constant 0 : i32
      %parallel_loop3A_273 = arith.constant 128 : i32
      %parallel_loop3A_274 = arith.constant 1 : i32
      scf.for %parallel_loop3A_359 = %parallel_loop3A_272 to %parallel_loop3A_273 step %parallel_loop3A_274  : i32 {
        %parallel_loop3A_360 = arith.constant 2 : i32
        %parallel_loop3A_361 = arith.index_cast %parallel_loop3A_360 : i32 to index
        %parallel_loop3A_362 = arith.index_cast %parallel_loop3A_359 : i32 to index
        %parallel_loop3A_363 = arith.constant 0 : index
        %parallel_loop3A_364 = tpu.vector_load %arg7[%parallel_loop3A_361, %parallel_loop3A_362, %parallel_loop3A_363] {strides = array<i32>} : memref<4x128x128xf32, #tpu.memory_space<vmem>>, vector<16xf32>,
        %parallel_loop3A_365 = arith.constant 2 : i32
        %parallel_loop3A_366 = arith.index_cast %parallel_loop3A_365 : i32 to index
        %parallel_loop3A_367 = arith.index_cast %parallel_loop3A_359 : i32 to index
        %parallel_loop3A_368 = arith.constant 16 : index
        %parallel_loop3A_369 = tpu.vector_load %arg7[%parallel_loop3A_366, %parallel_loop3A_367, %parallel_loop3A_368] {strides = array<i32>} : memref<4x128x128xf32, #tpu.memory_space<vmem>>, vector<16xf32>,
        %parallel_loop3A_370 = vector.broadcast %parallel_loop3A_359 : i32 to vector<16xi32>
        %parallel_loop3A_371 = arith.constant 5.65685415 : f32
        %parallel_loop3A_372 = vector.broadcast %parallel_loop3A_371 : f32 to vector<16xf32>
        %parallel_loop3A_373 = arith.mulf %parallel_loop3A_364, %parallel_loop3A_372 : vector<16xf32>
        %parallel_loop3A_374 = arith.addf %parallel_loop3A_373, %get3A_260 : vector<16xf32>
        tpu.vector_store_idx %arg8[%broadcast_in_dim3A_268, %iota3A, %parallel_loop3A_370], %parallel_loop3A_374 : memref<4x32x129xf32, #tpu.memory_space<vmem>>[vector<16xi32>, vector<16xi32>, vector<16xi32>], vector<16xf32>,
        %parallel_loop3A_375 = arith.constant 5.65685415 : f32
        %parallel_loop3A_376 = vector.broadcast %parallel_loop3A_375 : f32 to vector<16xf32>
        %parallel_loop3A_377 = arith.mulf %parallel_loop3A_369, %parallel_loop3A_376 : vector<16xf32>
        %parallel_loop3A_378 = arith.addf %parallel_loop3A_377, %get3A_266 : vector<16xf32>
        tpu.vector_store_idx %arg8[%broadcast_in_dim3A_268, %add3A_271, %parallel_loop3A_370], %parallel_loop3A_378 : memref<4x32x129xf32, #tpu.memory_space<vmem>>[vector<16xi32>, vector<16xi32>, vector<16xi32>], vector<16xf32>,
      } {sc.loop_unroll_factor = 8 : i64, sc.parallel_access}
      %dma_start3A_275 = arith.constant 2 : i32
      %dma_start3A_276 = arith.constant 0 : i32
      %dma_start3A_277 = arith.constant 0 : i32
      %dma_start3A_278 = tpu.memref_slice %arg8[%dma_start3A_275, %dma_start3A_276, %dma_start3A_277] : memref<4x32x129xf32, #tpu.memory_space<vmem>> -> memref<1x32x128xf32, #tpu.memory_space<vmem>>
      %dma_start3A_279 = tpu.memref_squeeze %dma_start3A_278 : memref<1x32x128xf32, #tpu.memory_space<vmem>> -> memref<32x128xf32, #tpu.memory_space<vmem>>
      %dma_start3A_280 = arith.constant 0 : i32
      %dma_start3A_281 = tpu.memref_slice %arg5[%add3A_239, %dma_start3A_280, %mul3A_2] : memref<200x32x4096xf32, #tpu.memory_space<hbm>> -> memref<1x32x128xf32, #tpu.memory_space<hbm>>
      %dma_start3A_282 = tpu.memref_squeeze %dma_start3A_281 : memref<1x32x128xf32, #tpu.memory_space<hbm>> -> memref<32x128xf32, #tpu.memory_space<hbm>>
      %dma_start3A_283 = arith.constant 0 : i32
      %dma_start3A_284 = tpu.memref_slice %arg5[%add3A_239, %dma_start3A_283, %mul3A_2] : memref<200x32x4096xf32, #tpu.memory_space<hbm>> -> memref<1x32x128xf32, #tpu.memory_space<hbm>>
      %dma_start3A_285 = tpu.memref_squeeze %dma_start3A_284 : memref<1x32x128xf32, #tpu.memory_space<hbm>> -> memref<32x128xf32, #tpu.memory_space<hbm>>
      %dma_start3A_286 = arith.constant 0 : i32
      %dma_start3A_287 = arith.constant 0 : i32
      %dma_start3A_288 = tpu.memref_slice %arg8[%dma_start3A_275, %dma_start3A_286, %dma_start3A_287] : memref<4x32x129xf32, #tpu.memory_space<vmem>> -> memref<1x32x128xf32, #tpu.memory_space<vmem>>
      %dma_start3A_289 = tpu.memref_squeeze %dma_start3A_288 : memref<1x32x128xf32, #tpu.memory_space<vmem>> -> memref<32x128xf32, #tpu.memory_space<vmem>>
      tpu.enqueue_dma source(%dma_start3A_289 : memref<32x128xf32, #tpu.memory_space<vmem>>) target(%dma_start3A_285 : memref<32x128xf32, #tpu.memory_space<hbm>>) target_semaphore(%arg16 : memref<!tpu.dma_semaphore, #tpu.memory_space<semaphore_mem>>)
      %add3A_290 = arith.constant 4 : i32
      %add3A_291 = arith.addi %add3A_239, %add3A_290 : i32
      %lt3A_292 = arith.constant 200 : i32
      %lt3A_293 = arith.cmpi slt, %add3A_291, %lt3A_292 : i32
      %convert_element_type3A_294 = arith.extui %lt3A_293 : i1 to i32
      %cond3A_295 = arith.constant 0 : i32
      %cond3A_296 = arith.cmpi ne, %convert_element_type3A_294, %cond3A_295 : i32
      scf.if %cond3A_296 {
        %add3A_359 = arith.constant 4 : i32
        %add3A_360 = arith.addi %add3A_239, %add3A_359 : i32
        %dma_start3A_361 = arith.constant 2 : i32
        %dma_start3A_362 = arith.constant 0 : i32
        %dma_start3A_363 = arith.constant 0 : i32
        %dma_start3A_364 = tpu.memref_slice %arg7[%dma_start3A_361, %dma_start3A_362, %dma_start3A_363] : memref<4x128x128xf32, #tpu.memory_space<vmem>> -> memref<1x128x128xf32, #tpu.memory_space<vmem>>
        %dma_start3A_365 = tpu.memref_squeeze %dma_start3A_364 : memref<1x128x128xf32, #tpu.memory_space<vmem>> -> memref<128x128xf32, #tpu.memory_space<vmem>>
        %dma_start3A_366 = arith.constant 0 : i32
        %dma_start3A_367 = tpu.memref_slice %arg6[%add3A_360, %dma_start3A_366] : memref<200x128xi32, #tpu.memory_space<vmem>> -> memref<1x128xi32, #tpu.memory_space<vmem>>
        %dma_start3A_368 = tpu.memref_squeeze %dma_start3A_367 : memref<1x128xi32, #tpu.memory_space<vmem>> -> memref<128xi32, #tpu.memory_space<vmem>>
        %dma_start3A_369 = arith.constant 0 : i32
        %dma_start3A_370 = arith.constant 0 : i32
        %dma_start3A_371 = tpu.memref_slice %arg3[%dma_start3A_369, %dma_start3A_370] : memref<1000000x128xf32, #tpu.memory_space<hbm>> -> memref<1000000x128xf32, #tpu.memory_space<hbm>>
        tpu.enqueue_indirect_dma source(%dma_start3A_371 : memref<1000000x128xf32, #tpu.memory_space<hbm>>) target(%dma_start3A_365 : memref<128x128xf32, #tpu.memory_space<vmem>>) offsets(%dma_start3A_368 : memref<128xi32, #tpu.memory_space<vmem>>) semaphore(%arg12 : memref<!tpu.dma_semaphore, #tpu.memory_space<semaphore_mem>>)
      } else {
      }
      %mul3A_297 = arith.constant 4 : i32
      %mul3A_298 = arith.muli %scan3A_119, %mul3A_297 : i32
      %add3A_299 = arith.constant 3 : i32
      %add3A_300 = arith.addi %mul3A_298, %add3A_299 : i32
      %dma_wait3A_301 = arith.constant 0 : i32
      %dma_wait3A_302 = arith.constant 3 : i32
      %dma_wait3A_303 = arith.constant 0 : i32
      %dma_wait3A_304 = arith.constant 0 : i32
      %dma_wait3A_305 = tpu.memref_slice %arg7[%dma_wait3A_302, %dma_wait3A_303, %dma_wait3A_304] : memref<4x128x128xf32, #tpu.memory_space<vmem>> -> memref<1x128x128xf32, #tpu.memory_space<vmem>>
      %dma_wait3A_306 = tpu.memref_squeeze %dma_wait3A_305 : memref<1x128x128xf32, #tpu.memory_space<vmem>> -> memref<128x128xf32, #tpu.memory_space<vmem>>
      %dma_wait3A_307 = arith.constant 0 : i32
      %dma_wait3A_308 = tpu.memref_slice %arg6[%dma_wait3A_301, %dma_wait3A_307] : memref<200x128xi32, #tpu.memory_space<vmem>> -> memref<1x128xi32, #tpu.memory_space<vmem>>
      %dma_wait3A_309 = tpu.memref_squeeze %dma_wait3A_308 : memref<1x128xi32, #tpu.memory_space<vmem>> -> memref<128xi32, #tpu.memory_space<vmem>>
      %dma_wait3A_310 = arith.constant 0 : i32
      %dma_wait3A_311 = arith.constant 0 : i32
      %dma_wait3A_312 = tpu.memref_slice %arg3[%dma_wait3A_310, %dma_wait3A_311] : memref<1000000x128xf32, #tpu.memory_space<hbm>> -> memref<1000000x128xf32, #tpu.memory_space<hbm>>
      tpu.wait_indirect_dma semaphore(%arg13 : memref<!tpu.dma_semaphore, #tpu.memory_space<semaphore_mem>>) src(%dma_wait3A_312 : memref<1000000x128xf32, #tpu.memory_space<hbm>>) dst(%dma_wait3A_306 : memref<128x128xf32, #tpu.memory_space<vmem>>)
      %gt3A_313 = arith.constant 0 : i32
      %gt3A_314 = arith.cmpi sgt, %scan3A_119, %gt3A_313 : i32
      %convert_element_type3A_315 = arith.extui %gt3A_314 : i1 to i32
      %cond3A_316 = arith.constant 0 : i32
      %cond3A_317 = arith.cmpi ne, %convert_element_type3A_315, %cond3A_316 : i32
      scf.if %cond3A_317 {
        %dma_wait3A_359 = arith.constant 3 : i32
        %dma_wait3A_360 = arith.constant 0 : i32
        %dma_wait3A_361 = arith.constant 0 : i32
        %dma_wait3A_362 = arith.constant 0 : i32
        %dma_wait3A_363 = tpu.memref_slice %arg8[%dma_wait3A_359, %dma_wait3A_361, %dma_wait3A_362] : memref<4x32x129xf32, #tpu.memory_space<vmem>> -> memref<1x32x128xf32, #tpu.memory_space<vmem>>
        %dma_wait3A_364 = tpu.memref_squeeze %dma_wait3A_363 : memref<1x32x128xf32, #tpu.memory_space<vmem>> -> memref<32x128xf32, #tpu.memory_space<vmem>>
        %dma_wait3A_365 = arith.constant 0 : i32
        %dma_wait3A_366 = tpu.memref_slice %arg5[%dma_wait3A_360, %dma_wait3A_365, %mul3A_2] : memref<200x32x4096xf32, #tpu.memory_space<hbm>> -> memref<1x32x128xf32, #tpu.memory_space<hbm>>
        %dma_wait3A_367 = tpu.memref_squeeze %dma_wait3A_366 : memref<1x32x128xf32, #tpu.memory_space<hbm>> -> memref<32x128xf32, #tpu.memory_space<hbm>>
        %dma_wait3A_368 = arith.constant 0 : i32
        %dma_wait3A_369 = tpu.memref_slice %arg5[%dma_wait3A_360, %dma_wait3A_368, %mul3A_2] : memref<200x32x4096xf32, #tpu.memory_space<hbm>> -> memref<1x32x128xf32, #tpu.memory_space<hbm>>
        %dma_wait3A_370 = tpu.memref_squeeze %dma_wait3A_369 : memref<1x32x128xf32, #tpu.memory_space<hbm>> -> memref<32x128xf32, #tpu.memory_space<hbm>>
        %dma_wait3A_371 = arith.constant 0 : i32
        %dma_wait3A_372 = arith.constant 0 : i32
        %dma_wait3A_373 = tpu.memref_slice %arg8[%dma_wait3A_359, %dma_wait3A_371, %dma_wait3A_372] : memref<4x32x129xf32, #tpu.memory_space<vmem>> -> memref<1x32x128xf32, #tpu.memory_space<vmem>>
        %dma_wait3A_374 = tpu.memref_squeeze %dma_wait3A_373 : memref<1x32x128xf32, #tpu.memory_space<vmem>> -> memref<32x128xf32, #tpu.memory_space<vmem>>
        tpu.wait_dma2 semaphore(%arg17 : memref<!tpu.dma_semaphore, #tpu.memory_space<semaphore_mem>>) src(%dma_wait3A_374 : memref<32x128xf32, #tpu.memory_space<vmem>>) dst(%dma_wait3A_370 : memref<32x128xf32, #tpu.memory_space<hbm>>)
      } else {
      }
      %mul3A_318 = arith.constant 32 : i32
      %mul3A_319 = arith.muli %add3A_300, %mul3A_318 : i32
      %get3A_320 = arith.index_cast %mul3A_319 : i32 to index
      %get3A_321 = tpu.vector_load %arg9[%get3A_320] {strides = array<i32>} : memref<6400xf32, #tpu.memory_space<vmem>>, vector<16xf32>,
      %mul3A_322 = arith.constant 32 : i32
      %mul3A_323 = arith.muli %add3A_300, %mul3A_322 : i32
      %add3A_324 = arith.constant 16 : i32
      %add3A_325 = arith.addi %mul3A_323, %add3A_324 : i32
      %get3A_326 = arith.index_cast %add3A_325 : i32 to index
      %get3A_327 = tpu.vector_load %arg9[%get3A_326] {strides = array<i32>} : memref<6400xf32, #tpu.memory_space<vmem>>, vector<16xf32>,
      %broadcast_in_dim3A_328 = arith.constant 3 : i32
      %broadcast_in_dim3A_329 = vector.broadcast %broadcast_in_dim3A_328 : i32 to vector<16xi32>
      %add3A_330 = arith.constant 16 : i32
      %add3A_331 = vector.broadcast %add3A_330 : i32 to vector<16xi32>
      %add3A_332 = arith.addi %iota3A, %add3A_331 : vector<16xi32>
      %parallel_loop3A_333 = arith.constant 0 : i32
      %parallel_loop3A_334 = arith.constant 128 : i32
      %parallel_loop3A_335 = arith.constant 1 : i32
      scf.for %parallel_loop3A_359 = %parallel_loop3A_333 to %parallel_loop3A_334 step %parallel_loop3A_335  : i32 {
        %parallel_loop3A_360 = arith.constant 3 : i32
        %parallel_loop3A_361 = arith.index_cast %parallel_loop3A_360 : i32 to index
        %parallel_loop3A_362 = arith.index_cast %parallel_loop3A_359 : i32 to index
        %parallel_loop3A_363 = arith.constant 0 : index
        %parallel_loop3A_364 = tpu.vector_load %arg7[%parallel_loop3A_361, %parallel_loop3A_362, %parallel_loop3A_363] {strides = array<i32>} : memref<4x128x128xf32, #tpu.memory_space<vmem>>, vector<16xf32>,
        %parallel_loop3A_365 = arith.constant 3 : i32
        %parallel_loop3A_366 = arith.index_cast %parallel_loop3A_365 : i32 to index
        %parallel_loop3A_367 = arith.index_cast %parallel_loop3A_359 : i32 to index
        %parallel_loop3A_368 = arith.constant 16 : index
        %parallel_loop3A_369 = tpu.vector_load %arg7[%parallel_loop3A_366, %parallel_loop3A_367, %parallel_loop3A_368] {strides = array<i32>} : memref<4x128x128xf32, #tpu.memory_space<vmem>>, vector<16xf32>,
        %parallel_loop3A_370 = vector.broadcast %parallel_loop3A_359 : i32 to vector<16xi32>
        %parallel_loop3A_371 = arith.constant 5.65685415 : f32
        %parallel_loop3A_372 = vector.broadcast %parallel_loop3A_371 : f32 to vector<16xf32>
        %parallel_loop3A_373 = arith.mulf %parallel_loop3A_364, %parallel_loop3A_372 : vector<16xf32>
        %parallel_loop3A_374 = arith.addf %parallel_loop3A_373, %get3A_321 : vector<16xf32>
        tpu.vector_store_idx %arg8[%broadcast_in_dim3A_329, %iota3A, %parallel_loop3A_370], %parallel_loop3A_374 : memref<4x32x129xf32, #tpu.memory_space<vmem>>[vector<16xi32>, vector<16xi32>, vector<16xi32>], vector<16xf32>,
        %parallel_loop3A_375 = arith.constant 5.65685415 : f32
        %parallel_loop3A_376 = vector.broadcast %parallel_loop3A_375 : f32 to vector<16xf32>
        %parallel_loop3A_377 = arith.mulf %parallel_loop3A_369, %parallel_loop3A_376 : vector<16xf32>
        %parallel_loop3A_378 = arith.addf %parallel_loop3A_377, %get3A_327 : vector<16xf32>
        tpu.vector_store_idx %arg8[%broadcast_in_dim3A_329, %add3A_332, %parallel_loop3A_370], %parallel_loop3A_378 : memref<4x32x129xf32, #tpu.memory_space<vmem>>[vector<16xi32>, vector<16xi32>, vector<16xi32>], vector<16xf32>,
      } {sc.loop_unroll_factor = 8 : i64, sc.parallel_access}
      %dma_start3A_336 = arith.constant 3 : i32
      %dma_start3A_337 = arith.constant 0 : i32
      %dma_start3A_338 = arith.constant 0 : i32
      %dma_start3A_339 = tpu.memref_slice %arg8[%dma_start3A_336, %dma_start3A_337, %dma_start3A_338] : memref<4x32x129xf32, #tpu.memory_space<vmem>> -> memref<1x32x128xf32, #tpu.memory_space<vmem>>
      %dma_start3A_340 = tpu.memref_squeeze %dma_start3A_339 : memref<1x32x128xf32, #tpu.memory_space<vmem>> -> memref<32x128xf32, #tpu.memory_space<vmem>>
      %dma_start3A_341 = arith.constant 0 : i32
      %dma_start3A_342 = tpu.memref_slice %arg5[%add3A_300, %dma_start3A_341, %mul3A_2] : memref<200x32x4096xf32, #tpu.memory_space<hbm>> -> memref<1x32x128xf32, #tpu.memory_space<hbm>>
      %dma_start3A_343 = tpu.memref_squeeze %dma_start3A_342 : memref<1x32x128xf32, #tpu.memory_space<hbm>> -> memref<32x128xf32, #tpu.memory_space<hbm>>
      %dma_start3A_344 = arith.constant 0 : i32
      %dma_start3A_345 = tpu.memref_slice %arg5[%add3A_300, %dma_start3A_344, %mul3A_2] : memref<200x32x4096xf32, #tpu.memory_space<hbm>> -> memref<1x32x128xf32, #tpu.memory_space<hbm>>
      %dma_start3A_346 = tpu.memref_squeeze %dma_start3A_345 : memref<1x32x128xf32, #tpu.memory_space<hbm>> -> memref<32x128xf32, #tpu.memory_space<hbm>>
      %dma_start3A_347 = arith.constant 0 : i32
      %dma_start3A_348 = arith.constant 0 : i32
      %dma_start3A_349 = tpu.memref_slice %arg8[%dma_start3A_336, %dma_start3A_347, %dma_start3A_348] : memref<4x32x129xf32, #tpu.memory_space<vmem>> -> memref<1x32x128xf32, #tpu.memory_space<vmem>>
      %dma_start3A_350 = tpu.memref_squeeze %dma_start3A_349 : memref<1x32x128xf32, #tpu.memory_space<vmem>> -> memref<32x128xf32, #tpu.memory_space<vmem>>
      tpu.enqueue_dma source(%dma_start3A_350 : memref<32x128xf32, #tpu.memory_space<vmem>>) target(%dma_start3A_346 : memref<32x128xf32, #tpu.memory_space<hbm>>) target_semaphore(%arg17 : memref<!tpu.dma_semaphore, #tpu.memory_space<semaphore_mem>>)
      %add3A_351 = arith.constant 4 : i32
      %add3A_352 = arith.addi %add3A_300, %add3A_351 : i32
      %lt3A_353 = arith.constant 200 : i32
      %lt3A_354 = arith.cmpi slt, %add3A_352, %lt3A_353 : i32
      %convert_element_type3A_355 = arith.extui %lt3A_354 : i1 to i32
      %cond3A_356 = arith.constant 0 : i32
      %cond3A_357 = arith.cmpi ne, %convert_element_type3A_355, %cond3A_356 : i32
      scf.if %cond3A_357 {
        %add3A_359 = arith.constant 4 : i32
        %add3A_360 = arith.addi %add3A_300, %add3A_359 : i32
        %dma_start3A_361 = arith.constant 3 : i32
        %dma_start3A_362 = arith.constant 0 : i32
        %dma_start3A_363 = arith.constant 0 : i32
        %dma_start3A_364 = tpu.memref_slice %arg7[%dma_start3A_361, %dma_start3A_362, %dma_start3A_363] : memref<4x128x128xf32, #tpu.memory_space<vmem>> -> memref<1x128x128xf32, #tpu.memory_space<vmem>>
        %dma_start3A_365 = tpu.memref_squeeze %dma_start3A_364 : memref<1x128x128xf32, #tpu.memory_space<vmem>> -> memref<128x128xf32, #tpu.memory_space<vmem>>
        %dma_start3A_366 = arith.constant 0 : i32
        %dma_start3A_367 = tpu.memref_slice %arg6[%add3A_360, %dma_start3A_366] : memref<200x128xi32, #tpu.memory_space<vmem>> -> memref<1x128xi32, #tpu.memory_space<vmem>>
        %dma_start3A_368 = tpu.memref_squeeze %dma_start3A_367 : memref<1x128xi32, #tpu.memory_space<vmem>> -> memref<128xi32, #tpu.memory_space<vmem>>
        %dma_start3A_369 = arith.constant 0 : i32
        %dma_start3A_370 = arith.constant 0 : i32
        %dma_start3A_371 = tpu.memref_slice %arg3[%dma_start3A_369, %dma_start3A_370] : memref<1000000x128xf32, #tpu.memory_space<hbm>> -> memref<1000000x128xf32, #tpu.memory_space<hbm>>
        tpu.enqueue_indirect_dma source(%dma_start3A_371 : memref<1000000x128xf32, #tpu.memory_space<hbm>>) target(%dma_start3A_365 : memref<128x128xf32, #tpu.memory_space<vmem>>) offsets(%dma_start3A_368 : memref<128xi32, #tpu.memory_space<vmem>>) semaphore(%arg13 : memref<!tpu.dma_semaphore, #tpu.memory_space<semaphore_mem>>)
      } else {
      }
      %scan3A_358 = arith.constant 0 : i32
      scf.yield %scan3A_358 : i32
    }
    %scan3A_55 = arith.constant 50 : i32
    %dma_wait3A = arith.constant 0 : i32
    %dma_wait3A_56 = arith.constant 0 : i32
    %dma_wait3A_57 = arith.constant 0 : i32
    %dma_wait3A_58 = arith.constant 0 : i32
    %dma_wait3A_59 = tpu.memref_slice %arg8[%dma_wait3A, %dma_wait3A_57, %dma_wait3A_58] : memref<4x32x129xf32, #tpu.memory_space<vmem>> -> memref<1x32x128xf32, #tpu.memory_space<vmem>>
    %dma_wait3A_60 = tpu.memref_squeeze %dma_wait3A_59 : memref<1x32x128xf32, #tpu.memory_space<vmem>> -> memref<32x128xf32, #tpu.memory_space<vmem>>
    %dma_wait3A_61 = arith.constant 0 : i32
    %dma_wait3A_62 = tpu.memref_slice %arg5[%dma_wait3A_56, %dma_wait3A_61, %mul3A_2] : memref<200x32x4096xf32, #tpu.memory_space<hbm>> -> memref<1x32x128xf32, #tpu.memory_space<hbm>>
    %dma_wait3A_63 = tpu.memref_squeeze %dma_wait3A_62 : memref<1x32x128xf32, #tpu.memory_space<hbm>> -> memref<32x128xf32, #tpu.memory_space<hbm>>
    %dma_wait3A_64 = arith.constant 0 : i32
    %dma_wait3A_65 = tpu.memref_slice %arg5[%dma_wait3A_56, %dma_wait3A_64, %mul3A_2] : memref<200x32x4096xf32, #tpu.memory_space<hbm>> -> memref<1x32x128xf32, #tpu.memory_space<hbm>>
    %dma_wait3A_66 = tpu.memref_squeeze %dma_wait3A_65 : memref<1x32x128xf32, #tpu.memory_space<hbm>> -> memref<32x128xf32, #tpu.memory_space<hbm>>
    %dma_wait3A_67 = arith.constant 0 : i32
    %dma_wait3A_68 = arith.constant 0 : i32
    %dma_wait3A_69 = tpu.memref_slice %arg8[%dma_wait3A, %dma_wait3A_67, %dma_wait3A_68] : memref<4x32x129xf32, #tpu.memory_space<vmem>> -> memref<1x32x128xf32, #tpu.memory_space<vmem>>
    %dma_wait3A_70 = tpu.memref_squeeze %dma_wait3A_69 : memref<1x32x128xf32, #tpu.memory_space<vmem>> -> memref<32x128xf32, #tpu.memory_space<vmem>>
    tpu.wait_dma2 semaphore(%arg14 : memref<!tpu.dma_semaphore, #tpu.memory_space<semaphore_mem>>) src(%dma_wait3A_70 : memref<32x128xf32, #tpu.memory_space<vmem>>) dst(%dma_wait3A_66 : memref<32x128xf32, #tpu.memory_space<hbm>>)
    %dma_wait3A_71 = arith.constant 1 : i32
    %dma_wait3A_72 = arith.constant 0 : i32
    %dma_wait3A_73 = arith.constant 0 : i32
    %dma_wait3A_74 = arith.constant 0 : i32
    %dma_wait3A_75 = tpu.memref_slice %arg8[%dma_wait3A_71, %dma_wait3A_73, %dma_wait3A_74] : memref<4x32x129xf32, #tpu.memory_space<vmem>> -> memref<1x32x128xf32, #tpu.memory_space<vmem>>
    %dma_wait3A_76 = tpu.memref_squeeze %dma_wait3A_75 : memref<1x32x128xf32, #tpu.memory_space<vmem>> -> memref<32x128xf32, #tpu.memory_space<vmem>>
    %dma_wait3A_77 = arith.constant 0 : i32
    %dma_wait3A_78 = tpu.memref_slice %arg5[%dma_wait3A_72, %dma_wait3A_77, %mul3A_2] : memref<200x32x4096xf32, #tpu.memory_space<hbm>> -> memref<1x32x128xf32, #tpu.memory_space<hbm>>
    %dma_wait3A_79 = tpu.memref_squeeze %dma_wait3A_78 : memref<1x32x128xf32, #tpu.memory_space<hbm>> -> memref<32x128xf32, #tpu.memory_space<hbm>>
    %dma_wait3A_80 = arith.constant 0 : i32
    %dma_wait3A_81 = tpu.memref_slice %arg5[%dma_wait3A_72, %dma_wait3A_80, %mul3A_2] : memref<200x32x4096xf32, #tpu.memory_space<hbm>> -> memref<1x32x128xf32, #tpu.memory_space<hbm>>
    %dma_wait3A_82 = tpu.memref_squeeze %dma_wait3A_81 : memref<1x32x128xf32, #tpu.memory_space<hbm>> -> memref<32x128xf32, #tpu.memory_space<hbm>>
    %dma_wait3A_83 = arith.constant 0 : i32
    %dma_wait3A_84 = arith.constant 0 : i32
    %dma_wait3A_85 = tpu.memref_slice %arg8[%dma_wait3A_71, %dma_wait3A_83, %dma_wait3A_84] : memref<4x32x129xf32, #tpu.memory_space<vmem>> -> memref<1x32x128xf32, #tpu.memory_space<vmem>>
    %dma_wait3A_86 = tpu.memref_squeeze %dma_wait3A_85 : memref<1x32x128xf32, #tpu.memory_space<vmem>> -> memref<32x128xf32, #tpu.memory_space<vmem>>
    tpu.wait_dma2 semaphore(%arg15 : memref<!tpu.dma_semaphore, #tpu.memory_space<semaphore_mem>>) src(%dma_wait3A_86 : memref<32x128xf32, #tpu.memory_space<vmem>>) dst(%dma_wait3A_82 : memref<32x128xf32, #tpu.memory_space<hbm>>)
    %dma_wait3A_87 = arith.constant 2 : i32
    %dma_wait3A_88 = arith.constant 0 : i32
    %dma_wait3A_89 = arith.constant 0 : i32
    %dma_wait3A_90 = arith.constant 0 : i32
    %dma_wait3A_91 = tpu.memref_slice %arg8[%dma_wait3A_87, %dma_wait3A_89, %dma_wait3A_90] : memref<4x32x129xf32, #tpu.memory_space<vmem>> -> memref<1x32x128xf32, #tpu.memory_space<vmem>>
    %dma_wait3A_92 = tpu.memref_squeeze %dma_wait3A_91 : memref<1x32x128xf32, #tpu.memory_space<vmem>> -> memref<32x128xf32, #tpu.memory_space<vmem>>
    %dma_wait3A_93 = arith.constant 0 : i32
    %dma_wait3A_94 = tpu.memref_slice %arg5[%dma_wait3A_88, %dma_wait3A_93, %mul3A_2] : memref<200x32x4096xf32, #tpu.memory_space<hbm>> -> memref<1x32x128xf32, #tpu.memory_space<hbm>>
    %dma_wait3A_95 = tpu.memref_squeeze %dma_wait3A_94 : memref<1x32x128xf32, #tpu.memory_space<hbm>> -> memref<32x128xf32, #tpu.memory_space<hbm>>
    %dma_wait3A_96 = arith.constant 0 : i32
    %dma_wait3A_97 = tpu.memref_slice %arg5[%dma_wait3A_88, %dma_wait3A_96, %mul3A_2] : memref<200x32x4096xf32, #tpu.memory_space<hbm>> -> memref<1x32x128xf32, #tpu.memory_space<hbm>>
    %dma_wait3A_98 = tpu.memref_squeeze %dma_wait3A_97 : memref<1x32x128xf32, #tpu.memory_space<hbm>> -> memref<32x128xf32, #tpu.memory_space<hbm>>
    %dma_wait3A_99 = arith.constant 0 : i32
    %dma_wait3A_100 = arith.constant 0 : i32
    %dma_wait3A_101 = tpu.memref_slice %arg8[%dma_wait3A_87, %dma_wait3A_99, %dma_wait3A_100] : memref<4x32x129xf32, #tpu.memory_space<vmem>> -> memref<1x32x128xf32, #tpu.memory_space<vmem>>
    %dma_wait3A_102 = tpu.memref_squeeze %dma_wait3A_101 : memref<1x32x128xf32, #tpu.memory_space<vmem>> -> memref<32x128xf32, #tpu.memory_space<vmem>>
    tpu.wait_dma2 semaphore(%arg16 : memref<!tpu.dma_semaphore, #tpu.memory_space<semaphore_mem>>) src(%dma_wait3A_102 : memref<32x128xf32, #tpu.memory_space<vmem>>) dst(%dma_wait3A_98 : memref<32x128xf32, #tpu.memory_space<hbm>>)
    %dma_wait3A_103 = arith.constant 3 : i32
    %dma_wait3A_104 = arith.constant 0 : i32
    %dma_wait3A_105 = arith.constant 0 : i32
    %dma_wait3A_106 = arith.constant 0 : i32
    %dma_wait3A_107 = tpu.memref_slice %arg8[%dma_wait3A_103, %dma_wait3A_105, %dma_wait3A_106] : memref<4x32x129xf32, #tpu.memory_space<vmem>> -> memref<1x32x128xf32, #tpu.memory_space<vmem>>
    %dma_wait3A_108 = tpu.memref_squeeze %dma_wait3A_107 : memref<1x32x128xf32, #tpu.memory_space<vmem>> -> memref<32x128xf32, #tpu.memory_space<vmem>>
    %dma_wait3A_109 = arith.constant 0 : i32
    %dma_wait3A_110 = tpu.memref_slice %arg5[%dma_wait3A_104, %dma_wait3A_109, %mul3A_2] : memref<200x32x4096xf32, #tpu.memory_space<hbm>> -> memref<1x32x128xf32, #tpu.memory_space<hbm>>
    %dma_wait3A_111 = tpu.memref_squeeze %dma_wait3A_110 : memref<1x32x128xf32, #tpu.memory_space<hbm>> -> memref<32x128xf32, #tpu.memory_space<hbm>>
    %dma_wait3A_112 = arith.constant 0 : i32
    %dma_wait3A_113 = tpu.memref_slice %arg5[%dma_wait3A_104, %dma_wait3A_112, %mul3A_2] : memref<200x32x4096xf32, #tpu.memory_space<hbm>> -> memref<1x32x128xf32, #tpu.memory_space<hbm>>
    %dma_wait3A_114 = tpu.memref_squeeze %dma_wait3A_113 : memref<1x32x128xf32, #tpu.memory_space<hbm>> -> memref<32x128xf32, #tpu.memory_space<hbm>>
    %dma_wait3A_115 = arith.constant 0 : i32
    %dma_wait3A_116 = arith.constant 0 : i32
    %dma_wait3A_117 = tpu.memref_slice %arg8[%dma_wait3A_103, %dma_wait3A_115, %dma_wait3A_116] : memref<4x32x129xf32, #tpu.memory_space<vmem>> -> memref<1x32x128xf32, #tpu.memory_space<vmem>>
    %dma_wait3A_118 = tpu.memref_squeeze %dma_wait3A_117 : memref<1x32x128xf32, #tpu.memory_space<vmem>> -> memref<32x128xf32, #tpu.memory_space<vmem>>
    tpu.wait_dma2 semaphore(%arg17 : memref<!tpu.dma_semaphore, #tpu.memory_space<semaphore_mem>>) src(%dma_wait3A_118 : memref<32x128xf32, #tpu.memory_space<vmem>>) dst(%dma_wait3A_114 : memref<32x128xf32, #tpu.memory_space<hbm>>)
    return
  }
}

</mosaic_0001>

<sc_bundles>
// kernel: kernel.3.cloned.1.call-start
scs
__scs_entry_jumppad:
0x0: {  	(pc) =	sbr.rel $0x88, $3  }
0x1: {  	(tag) =	ssettag $0x0;
	lr =	simm.s32 $0x1  }
0x2: {  	[smem:$0x3F9F] =	sst lr;
	_ =	strace $0xD0000000  }
0x3: {  	_ = 	snop  }
0x4: {  	_ = 	snop  }
0x5: {  	_ = 	snop  }
0x6: {  	_ = 	snop  }
0x7: {  	_ = 	snop  }
__scs_overlays_trampoline_lowered:
0x8: {  	[smem:$0x3FAE] =	sst s0  }
0x9: {  	[smem:$0x3FAF] =	sst s1  }
0xa: {  	[smem:$0x3FB0] =	sst s2  }
0xb: {  	[smem:$0x3FB1] =	sst s3  }
0xc: {  	[smem:$0x3FB2] =	sst s4  }
0xd: {  	[smem:$0x3FB3] =	sst s5  }
0xe: {  	[smem:$0x3FB4] =	sst s6  }
0xf: {  	[smem:$0x3FB5] =	sst s7  }
0x10: {  	[smem:$0x3FB6] =	sst s8  }
0x11: {  	[smem:$0x3FB7] =	sst s9;
	s0 =	simm.s32 @!p0 $0x0  }
0x12: {  	s1 =	sld [smem:$0x3F9D];
	s0 =	simm.s32 @p0 $0x1  }
0x13: {  	[smem:$0x3FB8] =	sst s0;
	s0 =	simm.s32 @!p1 $0x0  }
0x14: {  	s2 =	sld [smem:$0x3F9C];
	s0 =	simm.s32 @p1 $0x1  }
0x15: {  	[smem:$0x3FB9] =	sst s0;
	s0 =	simm.s32 @!p2 $0x0  }
0x16: {  	s3 =	sld [smem:$0x3FDB];
	s0 =	simm.s32 @p2 $0x1  }
0x17: {  	s4 =	simm.s32 $0x1BF5;
	[smem:$0x3FBB] =	sst s0  }
0x18: {  	s0 =	sld [smem:$0x3F9E];
	_ =	swait.ge [sflag:s4], $0x0  }
0x19: {  	s7 =	sld [smem:$0x3F9F]  }
0x1a: {  	s8 =	sadd.s32 $0xFFFFE003, lr  }
0x1b: {  	s9 =	sadd.s32 $0xFFFFFEF7, lr;
	s5 =	simm.s32 $0xFFFFFFFF;
	p2 =	slt.u32 s8, $0xFFFFF086  }
0x1c: {  	p1 =	slt.u32 s9, $0xF7A;
	s5 =	simm.s32 @!p2 $0x0  }
0x1d: {  	s5 =	simm.s32 @p1 $0x1;
	p0 =	seq.s32 s7, s2  }
0x1e: {  	s7 =	smul.u32 @!p0 $0xF7A, s2;
	p2 =	seq.s32 @!p0 s5, $0x0  }
0x1f: {  	s9 =	smul.u32 $0xF7A, s1;
	s8 =	simm.s32 @!p0 $0x1BF5;
	p2 =	por !p2, p0  }
0x20: {  	[sflag:s8] =	ssyncset.s32 @!p0 $0xFFFFF086;
	s6 =	sadd.s32 @!p0 s3, s7;
	s7 =	simm.s32 @!p0 $0x108  }
0x21: {  	s3 =	sadd.s32 s3, s9;
	s6 =	sadd.s32 @!p0 $0x88, s6;
	s7 =	simm.s32 @p2 $0x1082  }
0x22: {  	[simem:s7], [sflag:s8] =	dma.local @!p0 [hbm:s6], $0xF7A  }
0x23: {  	s9 =	sor.u32 $0xD0000000, s2;
	s6 =	simm.s32 $0x108;
	_ =	swait.ge @!p0 [sflag:s8], $0x0  }
0x24: {  	s3 =	sadd.s32 $0x88, s3;
	s6 =	simm.s32 @!p1 $0x1082;
	[sflag:s4] =	ssyncset.s32 $0xFFFFF086  }
0x25: {  	[simem:s6], [sflag:s4] =	dma.local [hbm:s3], $0xF7A  }
0x26: {  	[smem:$0x3F9F] =	sst s1;
	(tag) =	ssettag s2;
	_ =	strace s9  }
0x27: {  	s1 =	sld [smem:$0x3FAF]  }
0x28: {  	s2 =	sld [smem:$0x3FB0]  }
0x29: {  	s4 =	sld [smem:$0x3FB2]  }
0x2a: {  	p0 =	seq.s32 s5, $0x0;
	s5 =	sld [smem:$0x3FB3]  }
0x2b: {  	s6 =	sld [smem:$0x3FB4]  }
0x2c: {  	s7 =	sld [smem:$0x3FB5]  }
0x2d: {  	s3 =	simm.s32 $0x108;
	s8 =	sld [smem:$0x3FB6]  }
0x2e: {  	s3 =	simm.s32 @!p0 $0x1082;
	s9 =	sld [smem:$0x3FB7]  }
0x2f: {  	lr =	sadd.s32 s0, s3;
	s0 =	sld [smem:$0x3FAE]  }
0x30: {  	s3 =	sld [smem:$0x3FB1]  }
0x31: {  	[smem:$0x3FBA] =	sst s10  }
0x32: {  	s10 =	sld [smem:$0x3FB8];
	_ =	sdelay $0x3  }
0x33: {  	p0 =	seq.s32 s10, $0x1;
	s10 =	sld [smem:$0x3FBA];
	_ =	sdelay $0x3  }
0x34: {  	[smem:$0x3FBA] =	sst s10  }
0x35: {  	s10 =	sld [smem:$0x3FB9];
	_ =	sdelay $0x3  }
0x36: {  	p1 =	seq.s32 s10, $0x1;
	s10 =	sld [smem:$0x3FBA];
	_ =	sdelay $0x3  }
0x37: {  	[smem:$0x3FBA] =	sst s10  }
0x38: {  	s10 =	sld [smem:$0x3FBB]  }
0x39: {  	_ = 	snop;
	(pc) =	sbr.ind lr, $3  }
0x3a: {  	_ = 	snop  }
0x3b: {  	_ = 	snop  }
0x3c: {  	p2 =	seq.s32 s10, $0x1;
	s10 =	sld [smem:$0x3FBA]  }
0x3d: {  	_ =	shalt  }
0x3e: {  	_ =	shalt  }
0x3f: {  	_ =	shalt  }
0x40: {  	_ =	shalt  }
0x41: {  	_ =	shalt  }
0x42: {  	_ =	shalt  }
0x43: {  	_ =	shalt  }
0x44: {  	_ =	shalt  }
0x45: {  	_ =	shalt  }
0x46: {  	_ =	shalt  }
0x47: {  	_ =	shalt  }
0x48: {  	_ =	shalt  }
0x49: {  	_ =	shalt  }
0x4a: {  	_ =	shalt  }
0x4b: {  	_ =	shalt  }
0x4c: {  	_ =	shalt  }
0x4d: {  	_ =	shalt  }
0x4e: {  	_ =	shalt  }
0x4f: {  	_ =	shalt  }
0x50: {  	_ =	shalt  }
0x51: {  	_ =	shalt  }
0x52: {  	_ =	shalt  }
0x53: {  	_ =	shalt  }
0x54: {  	_ =	shalt  }
0x55: {  	_ =	shalt  }
0x56: {  	_ =	shalt  }
0x57: {  	_ =	shalt  }
0x58: {  	_ =	shalt  }
0x59: {  	_ =	shalt  }
0x5a: {  	_ =	shalt  }
0x5b: {  	_ =	shalt  }
0x5c: {  	_ =	shalt  }
0x5d: {  	_ =	shalt  }
0x5e: {  	_ =	shalt  }
0x5f: {  	_ =	shalt  }
0x60: {  	_ =	shalt  }
0x61: {  	_ =	shalt  }
0x62: {  	_ =	shalt  }
0x63: {  	_ =	shalt  }
0x64: {  	_ =	shalt  }
0x65: {  	_ =	shalt  }
0x66: {  	_ =	shalt  }
0x67: {  	_ =	shalt  }
0x68: {  	_ =	shalt  }
0x69: {  	_ =	shalt  }
0x6a: {  	_ =	shalt  }
0x6b: {  	_ =	shalt  }
0x6c: {  	_ =	shalt  }
0x6d: {  	_ =	shalt  }
0x6e: {  	_ =	shalt  }
0x6f: {  	_ =	shalt  }
0x70: {  	_ =	shalt  }
0x71: {  	_ =	shalt  }
0x72: {  	_ =	shalt  }
0x73: {  	_ =	shalt  }
0x74: {  	_ =	shalt  }
0x75: {  	_ =	shalt  }
0x76: {  	_ =	shalt  }
0x77: {  	_ =	shalt  }
0x78: {  	_ =	shalt  }
0x79: {  	_ =	shalt  }
0x7a: {  	_ =	shalt  }
0x7b: {  	_ =	shalt  }
0x7c: {  	_ =	shalt  }
0x7d: {  	_ =	shalt  }
0x7e: {  	_ =	shalt  }
0x7f: {  	_ =	shalt  }
0x80: {  	_ =	shalt  }
0x81: {  	_ =	shalt  }
0x82: {  	_ =	shalt  }
0x83: {  	_ =	shalt  }
0x84: {  	_ =	shalt  }
0x85: {  	_ =	shalt  }
0x86: {  	_ =	shalt  }
0x87: {  	_ =	shalt  }
.Lfunc_end0:
.L_simem_size_0:
called_computation_lowered:
.L_overlay_start_0:
0x88: {  	s2 =	sld [smem:$0x3FD9]  }
0x89: {  	s3 =	sld [smem:$0x3FFE];
	_ =	sdelay $0x1  }
0x8a: {  	s1 =	srdreg.scid  }
0x8b: {  	s0 =	sand.u32 $0x1, s1  }
0x8c: {  	s17 =	sshll.u32 s0, $0xA;
	s2 =	sadd.s32 s3, s2  }
0x8d: {  	s2 =	sadd.s32 s2, s17  }
0x8e: {  	[smem:$0x3FC6] =	sst s2  }
0x8f: {  	_ = 	snop  }
0x90: {  	s2 =	sld [smem:$0x3FC9]  }
0x91: {  	s18 =	sld [smem:$0x3FD0];
	(tm) =	ssettm $0x1  }
0x92: {  	s4 =	sld [smem:$0x3FFB];
	_ =	sdelay $0x3  }
0x93: {  	_ =	strace s4  }
0x94: {  	s4 =	sld [smem:$0x3FFC];
	_ =	sdelay $0x3  }
0x95: {  	_ =	strace s4  }
0x96: {  	s4 =	sld [smem:$0x3FFD];
	_ =	sdelay $0x3  }
0x97: {  	_ =	strace s4  }
0x98: {  	_ =	strace $0x8FFFFFFF  }
0x99: {  	s19 =	sld [smem:$0x3FDB];
	_ =	sdelay $0x1  }
0x9a: {  	s5 =	simm.s32 $_scs_section_size  }
0x9b: {  	s6 =	simm.s32 $_size__tile_overlayer_lowered;
	s7 =	simm.s32 $_tile_overlayer_lowered  }
0x9c: {  	s22 =	simm.s32 $0x1BFF;
	s21 =	sshll.u32 s7, $0x1;
	s4 =	sadd.s32 s5, s19  }
0x9d: {  	s8 =	simm.s32 $0x0;
	s20 =	sshll.u32 s6, $0x1;
	s6 =	sadd.s32 s21, s4  }
0x9e: {  	[timem:s8], [sflag:s22] =	dma.local [hbm:s6], s20  }
0x9f: {  	_ =	swait.ge [sflag:s22], s20  }
0xa0: {  	s5 =	ssub.s32 $0x0, s20;
	[sflag:s22] =	ssyncset.done $0x0  }
0xa1: {  	[sflag:s22] =	ssyncadd.s32 s5;
	_ =	sdelay $0x1  }
0xa2: {  	s23 =	simm.s32 $0x1B8B  }
0xa3: {  	_ =	swait.ge [sflag:s23], $0x1  }
0xa4: {  	[sflag:s23] =	ssyncset.done $0x0  }
0xa5: {  	s25 =	simm.s32 $0x1B8E;
	s24 =	sld [smem:$0x3FFE];
	[sflag:s23] =	ssyncadd.s32 $0xFFFFFFFF  }
0xa6: {  	s26 =	simm.s32 $execute0_lowered;
	[smem:$0x3FD2] =	sst s25  }
0xa7: {  	s6 =	sshll.u32 s26, $0x1;
	_ =	strace $0x80000046;
	[dreg:$0x1] =	wrdreg $0xFFFFFFFF  }
0xa8: {  	s28 =	simm.s32 $_size_execute0_lowered;
	s4 =	sadd.s32 s4, s6;
	[dreg:$0x0] =	wrdreg $0x0  }
0xa9: {  	s6 =	sshll.u32 s28, $0x1;
	[dreg:$0x2] =	wrdreg s4  }
0xaa: {  	[dreg:$0x3] =	wrdreg s6  }
0xab: {  	[dreg:$0x4] =	wrdreg $0xC0  }
0xac: {  	_ =	task [dreg:s8], $0x5FFFF  }
0xad: {  	[dreg:$0x1] =	wrdreg $0xFFFFFFFF  }
0xae: {  	[dreg:$0x0] =	wrdreg $0x60  }
0xaf: {  	[dreg:$0x2] =	wrdreg s2  }
0xb0: {  	[dreg:$0x3] =	wrdreg s24  }
0xb1: {  	[dreg:$0x4] =	wrdreg s18  }
0xb2: {  	[dreg:$0x5] =	wrdreg $0x9  }
0xb3: {  	_ =	task.clear_ibuf [dreg:s8], $0x6FFFF;
	_ =	strace $0x90000046  }
0xb4: {  	s29 =	simm.s32 $0x9;
	_ =	strace $0x80000048  }
0xb5: {  	_ =	swait.ge [sflag:s29], $0x1  }
0xb6: {  	[sflag:s29] =	ssyncadd.s32 $0xFFFFFFFF  }
0xb7: {  	_ =	strace $0x90000048  }
0xb8: {  	_ =	sfence  }
0xb9: {  	s30 =	sld [smem:$0x0];
	_ =	sdelay $0x2  }
0xba: {  	s31 =	sshll.u32 s1, $0xD;
	s1 =	sshrl.u32 s1, $0x2  }
0xbb: {  	s3 =	sand.u32 $0x4000, s31;
	s1 =	sadd.s32 s1, s30  }
0xbc: {  	s0 =	sor.u32 s3, s0;
	s1 =	sshll.u32 s1, $0x11  }
0xbd: {  	s0 =	sor.u32 s1, s0  }
0xbe: {  	s0 =	sadd.s32 $0x8F2B, s0  }
0xbf: {  	[sflag:s0] =	ssyncadd.remote.s32 $0x1  }
0xc0: {  	_ =	sfence.sel $0xFFFF  }
0xc1: {  	[dreg:$0x0] =	wrdreg $0xFFFFFFFF;
	(pc) =	sbr.abs _section_cstart, $3  }
0xc2: {  	[dreg:$0x1] =	wrdreg $0xFFFFFFFF  }
0xc3: {  	_ =	task.clear_ibuf [dreg:s8], $0x2FFFF;
	_ =	strace $0x9FFFFFFF  }
0xc4: {  	(tm) =	ssettm $0x7FFFFFFF  }
0xc5: {  	_ =	shalt  }
tec
execute0_lowered:
.L_overlay_start_1:
0x0: {  	(tag) =	ssettag $0x1  }
0x1: {  	v0 =	vimm.s32 $0xB80;
	vm14 =	vcmask $0x300  }
0x2: {  	v1 =	vimm.s32 $0x1B80;
	vm13 =	vcmask $0x704;
	vm12 =	vcmask $0xB08  }
0x3: {  	vm11 =	vcmask $0xF0C;
	vm10 =	vcmask $0x1310;
	vm9 =	vcmask $0x1714  }
0x4: {  	vm8 =	vcmask $0x1B18;
	vm7 =	vcmask $0x1F1C;
	vm6 =	vcmask $0x2320  }
0x5: {  	vm5 =	vcmask $0x2724;
	vm4 =	vcmask $0x2B28;
	vm3 =	vcmask $0x2F2C  }
0x6: {  	vm2 =	vcmask $0x3330;
	vm1 =	vcmask $0x3734;
	vm0 =	vcmask $0x3B38  }
0x7: {  	v2 =	vimm.s32 $0x2B80;
	v3 =	vimm.s32 $0x3B80;
	v4 =	vimm.s32 $0x4B80  }
0x8: {  	v5 =	vimm.s32 $0x5B80;
	v6 =	vimm.s32 $0x6B80;
	v7 =	vimm.s32 $0x7B80  }
0x9: {  	v0 =	vsel vm14, $0x0, v0;
	v1 =	vsel vm14, $0x1000, v1;
	v2 =	vsel vm14, $0x2000, v2  }
0xa: {  	v3 =	vsel vm14, $0x3000, v3;
	v4 =	vsel vm14, $0x4000, v4;
	v5 =	vsel vm14, $0x5000, v5  }
0xb: {  	v6 =	vsel vm14, $0x6000, v6;
	v7 =	vsel vm14, $0x7000, v7;
	v0 =	vsel vm13, $0x80, v0  }
0xc: {  	v1 =	vsel vm13, $0x1080, v1;
	v2 =	vsel vm13, $0x2080, v2;
	v3 =	vsel vm13, $0x3080, v3  }
0xd: {  	v4 =	vsel vm13, $0x4080, v4;
	v5 =	vsel vm13, $0x5080, v5;
	v6 =	vsel vm13, $0x6080, v6  }
0xe: {  	v7 =	vsel vm13, $0x7080, v7;
	v0 =	vsel vm12, $0x100, v0;
	v1 =	vsel vm12, $0x1100, v1  }
0xf: {  	v2 =	vsel vm12, $0x2100, v2;
	v3 =	vsel vm12, $0x3100, v3;
	v4 =	vsel vm12, $0x4100, v4  }
0x10: {  	v5 =	vsel vm12, $0x5100, v5;
	v6 =	vsel vm12, $0x6100, v6;
	v7 =	vsel vm12, $0x7100, v7  }
0x11: {  	v0 =	vsel vm11, $0x180, v0;
	v1 =	vsel vm11, $0x1180, v1;
	v2 =	vsel vm11, $0x2180, v2  }
0x12: {  	v3 =	vsel vm11, $0x3180, v3;
	v4 =	vsel vm11, $0x4180, v4;
	v5 =	vsel vm11, $0x5180, v5  }
0x13: {  	v6 =	vsel vm11, $0x6180, v6;
	v7 =	vsel vm11, $0x7180, v7;
	v0 =	vsel vm10, $0x200, v0  }
0x14: {  	v1 =	vsel vm10, $0x1200, v1;
	v2 =	vsel vm10, $0x2200, v2;
	v3 =	vsel vm10, $0x3200, v3  }
0x15: {  	v4 =	vsel vm10, $0x4200, v4;
	v5 =	vsel vm10, $0x5200, v5;
	v6 =	vsel vm10, $0x6200, v6  }
0x16: {  	v7 =	vsel vm10, $0x7200, v7;
	v0 =	vsel vm9, $0x280, v0;
	v1 =	vsel vm9, $0x1280, v1  }
0x17: {  	v2 =	vsel vm9, $0x2280, v2;
	v3 =	vsel vm9, $0x3280, v3;
	v4 =	vsel vm9, $0x4280, v4  }
0x18: {  	v5 =	vsel vm9, $0x5280, v5;
	v6 =	vsel vm9, $0x6280, v6;
	v7 =	vsel vm9, $0x7280, v7  }
0x19: {  	v0 =	vsel vm8, $0x300, v0;
	v1 =	vsel vm8, $0x1300, v1;
	v2 =	vsel vm8, $0x2300, v2  }
0x1a: {  	v3 =	vsel vm8, $0x3300, v3;
	v4 =	vsel vm8, $0x4300, v4;
	v5 =	vsel vm8, $0x5300, v5  }
0x1b: {  	v6 =	vsel vm8, $0x6300, v6;
	v7 =	vsel vm8, $0x7300, v7;
	v0 =	vsel vm7, $0x380, v0  }
0x1c: {  	v1 =	vsel vm7, $0x1380, v1;
	v2 =	vsel vm7, $0x2380, v2;
	v3 =	vsel vm7, $0x3380, v3  }
0x1d: {  	v4 =	vsel vm7, $0x4380, v4;
	v5 =	vsel vm7, $0x5380, v5;
	v6 =	vsel vm7, $0x6380, v6  }
0x1e: {  	v7 =	vsel vm7, $0x7380, v7;
	v0 =	vsel vm6, $0x800, v0;
	v1 =	vsel vm6, $0x1800, v1  }
0x1f: {  	v2 =	vsel vm6, $0x2800, v2;
	v3 =	vsel vm6, $0x3800, v3;
	v4 =	vsel vm6, $0x4800, v4  }
0x20: {  	v5 =	vsel vm6, $0x5800, v5;
	v6 =	vsel vm6, $0x6800, v6;
	v7 =	vsel vm6, $0x7800, v7  }
0x21: {  	s0 =	rddreg [dreg:$0x0];
	v0 =	vsel vm5, $0x880, v0;
	v1 =	vsel vm5, $0x1880, v1;
	v2 =	vsel vm5, $0x2880, v2  }
0x22: {  	s3 =	rddreg [dreg:$0x1];
	v3 =	vsel vm5, $0x3880, v3;
	v4 =	vsel vm5, $0x4880, v4;
	v5 =	vsel vm5, $0x5880, v5  }
0x23: {  	s1 =	rddreg [dreg:$0x2];
	s2 =	simm.s32 $0x0;
	v6 =	vsel vm5, $0x6880, v6;
	v7 =	vsel vm5, $0x7880, v7;
	v0 =	vsel vm4, $0x900, v0  }
0x24: {  	s4 =	srdreg.scid;
	s5 =	stileid.u32;
	s13 =	simm.s32 $0x80;
	v1 =	vsel vm4, $0x1900, v1;
	v2 =	vsel vm4, $0x2900, v2;
	v3 =	vsel vm4, $0x3900, v3  }
0x25: {  	s20 =	simm.s32 $0x1;
	s21 =	simm.s32 $0x16400;
	s28 =	simm.s32 $0x18C00;
	v4 =	vsel vm4, $0x4900, v4;
	v5 =	vsel vm4, $0x5900, v5;
	v6 =	vsel vm4, $0x6900, v6  }
0x26: {  	s29 =	simm.s32 $0x19400;
	s30 =	simm.s32 $0x19C00;
	s31 =	simm.s32 $0x3;
	v7 =	vsel vm4, $0x7900, v7;
	v0 =	vsel vm3, $0x980, v0;
	v1 =	vsel vm3, $0x1980, v1  }
0x27: {  	s9 =	simm.s32 $0x1B400;
	s11 =	simm.s32 $0x1BC00;
	s12 =	simm.s32 $0x4;
	v2 =	vsel vm3, $0x2980, v2;
	v3 =	vsel vm3, $0x3980, v3;
	v4 =	vsel vm3, $0x4980, v4  }
0x28: {  	s14 =	simm.s32 $0x1C400;
	s15 =	simm.s32 $0x1CC00;
	s16 =	simm.s32 $0x1D400;
	v5 =	vsel vm3, $0x5980, v5;
	v6 =	vsel vm3, $0x6980, v6;
	v7 =	vsel vm3, $0x7980, v7  }
0x29: {  	s17 =	simm.s32 $0x1DC00;
	s8 =	simm.s32 $0x0;
	s4 =	sand.u32 $0x1, s4;
	v0 =	vsel vm2, $0xA00, v0;
	v1 =	vsel vm2, $0x1A00, v1;
	v2 =	vsel vm2, $0x2A00, v2  }
0x2a: {  	[smem:$0x7FF] =	sst s2;
	s5 =	sshll.u32 s5, $0xB;
	s6 =	ssub.s32 $0x2, s4;
	v3 =	vsel vm2, $0x3A00, v3;
	v4 =	vsel vm2, $0x4A00, v4;
	v5 =	vsel vm2, $0x5A00, v5  }
0x2b: {  	s4 =	sshll.u32 s4, $0xA;
	_ =	strace $0x80000047;
	s7 =	sshrl.u32 s6, $0x1;
	v6 =	vsel vm2, $0x6A00, v6;
	v7 =	vsel vm2, $0x7A00, v7;
	v0 =	vsel vm1, $0xA80, v0  }
.Ltmp0:
0x2c: {  	s4 =	sor.u32 s4, s5;
	s5 =	sadd.s32 $0xF42A00, s3;
	v1 =	vsel vm1, $0x1A80, v1;
	v2 =	vsel vm1, $0x2A80, v2;
	v3 =	vsel vm1, $0x3A80, v3;
	(pc) =	sbr.rel .LBB2_1-.Ltmp0, $4  }
0x2d: {  	s3 =	sadd.s32 $0x600, s3;
	s6 =	ssub.s32 s6, s7;
	s25 =	sshrl.u32 s4, $0x3;
	v4 =	vsel vm1, $0x4A80, v4;
	v5 =	vsel vm1, $0x5A80, v5;
	v6 =	vsel vm1, $0x6A80, v6  }
0x2e: {  	[dreg:$0x4] =	wrdreg s3;
	s3 =	simm.s32 $0x1AC00;
	s0 =	sadd.s32 s0, s25;
	v7 =	vsel vm1, $0x7A80, v7;
	v0 =	vsel vm0, $0xB00, v0;
	v1 =	vsel vm0, $0x1B00, v1  }
0x2f: {  	s26 =	smax.u32 s6, $0x1;
	s25 =	simm.s32 $0x2;
	[dreg:$0x5] =	wrdreg s0;
	v2 =	vsel vm0, $0x2B00, v2;
	v3 =	vsel vm0, $0x3B00, v3;
	v4 =	vsel vm0, $0x4B00, v4  }
0x30: {  	[dreg:$0x6] =	wrdreg s26;
	s26 =	simm.s32 $0x18400;
	s0 =	simm.s32 $0x1A400;
	v5 =	vsel vm0, $0x5B00, v5;
	v6 =	vsel vm0, $0x6B00, v6;
	v7 =	vsel vm0, $0x7B00, v7  }
.LBB2_12:
0x31: {  	s6 =	simm.s32 $0x5  }
0x32: {  	_ =	swait.ge [sflag:s6], $0x1000  }
0x33: {  	[sflag:s6] =	ssyncset.done $0x0  }
0x34: {  	s22 =	simm.s32 $0x6;
	[sflag:s6] =	ssyncadd.s32 $0xFFFFF000  }
0x35: {  	_ =	swait.ge [sflag:s22], $0x1000  }
0x36: {  	[sflag:s22] =	ssyncset.done $0x0  }
0x37: {  	s23 =	simm.s32 $0x7;
	[sflag:s22] =	ssyncadd.s32 $0xFFFFF000  }
0x38: {  	_ =	swait.ge [sflag:s23], $0x1000  }
0x39: {  	[sflag:s23] =	ssyncset.done $0x0  }
0x3a: {  	s7 =	simm.s32 $0x8;
	[sflag:s23] =	ssyncadd.s32 $0xFFFFF000  }
0x3b: {  	_ =	swait.ge [sflag:s7], $0x1000  }
0x3c: {  	s8 =	rddreg [dreg:$0x7]  }
0x3d: {  	s24 =	rddreg [dreg:$0x6];
	s8 =	sadd.s32 $0x1, s8  }
0x3e: {  	p0 =	sne.s32 s8, s24  }
.Ltmp1:
0x3f: {  	_ = 	snop;
	(pc) =	sbr.rel @!p0 .LBB2_13-.Ltmp1, $3  }
0x40: {  	_ =	sdelay $0x1  }
0x41: {  	[sflag:s7] =	ssyncset.done $0x0  }
0x42: {  	[sflag:s7] =	ssyncadd.s32 $0xFFFFF000  }
.LBB2_1:
0x43: {  	[dreg:$0x7] =	wrdreg s8  }
0x44: {  	s6 =	rddreg [dreg:$0x4];
	s7 =	simm.s32 $0x1E400;
	s22 =	simm.s32 $0x9  }
0x45: {  	[tilespmem:s7], [sflag:$0x9] =	stream.linear.gather [hbm4b:s6+s2], $0x1900, $0x38;
	[tilespmem:$0x1FD00] =	vst v63  }
0x46: {  	_ =	swait.ge [sflag:s22], $0x1900  }
0x47: {  	s24 =	simm.s32 $0x400;
	[sflag:s22] =	ssyncset.done $0x0  }
0x48: {  	s10 =	simm.s32 $0x8000;
	s23 =	rddreg [dreg:$0x5];
	[sflag:s22] =	ssyncadd.s32 $0xFFFFE700  }
0x49: {  	[tilespmem:s2], [sflag:$0x9] =	stream.strided.gather [hbm4b:s23+s24], $0x6400, s10, s24, $0x38;
	[tilespmem:$0x1FD00] =	vst v63  }
0x4a: {  	_ =	swait.ge [sflag:s22], $0x6400  }
0x4b: {  	[sflag:s22] =	ssyncset.done $0x0  }
0x4c: {  	s10 =	simm.s32 $0x6400;
	[sflag:s22] =	ssyncadd.s32 $0xFFFF9C00  }
0x4d: {  	[tilespmem:s10], [sflag:$0x1] =	stream.indirect.gather [hbm4b:s5+s13], $0x80, s2, s13, $0xb8;
	[tilespmem:$0x1FD00] =	vst v63  }
0x4e: {  	s18 =	simm.s32 $0xA400  }
0x4f: {  	[tilespmem:s18], [sflag:$0x2] =	stream.indirect.gather [hbm4b:s5+s13], $0x80, s13, s13, $0xb8;
	[tilespmem:$0x1FD00] =	vst v63  }
0x50: {  	s19 =	simm.s32 $0x100;
	s22 =	simm.s32 $0xE400  }
0x51: {  	[tilespmem:s22], [sflag:$0x3] =	stream.indirect.gather [hbm4b:s5+s13], $0x80, s19, s13, $0xb8;
	[tilespmem:$0x1FD00] =	vst v63  }
0x52: {  	s6 =	simm.s32 $0x0;
	s23 =	simm.s32 $0x180;
	s24 =	simm.s32 $0x12400  }
0x53: {  	[tilespmem:s24], [sflag:$0x4] =	stream.indirect.gather [hbm4b:s5+s13], $0x80, s23, s13, $0xb8;
	[tilespmem:$0x1FD00] =	vst v63  }
.LBB2_2:
0x54: {  	_ =	swait.ge [sflag:s20], $0x4000  }
0x55: {  	p0 =	seq.s32 s6, $0x0;
	[sflag:s20] =	ssyncset.done $0x0  }
0x56: {  	s7 =	simm.s32 @!p0 $0x5;
	[sflag:s20] =	ssyncadd.s32 $0xFFFFC000  }
0x57: {  	_ =	swait.ge @!p0 [sflag:s7], $0x1000  }
0x58: {  	s8 =	sshll.u32 s6, $0x7;
	[sflag:s7] =	ssyncset.done @!p0 $0x0  }
0x59: {  	s8 =	sand.u32 $0x3FFFFF80, s8;
	[sflag:s7] =	ssyncadd.s32 @!p0 $0xFFFFF000  }
0x5a: {  	v9 =	vld [tilespmem:s8+$0x1E400]  }
0x5b: {  	s7 =	simm.s32 $0x6600;
	v8 =	vld [tilespmem:s8+$0x1E410]  }
0x5c: {  	v10 =	vld [tilespmem:s7+$0x180]  }
0x5d: {  	v11 =	vld [tilespmem:s7+$0x190]  }
0x5e: {  	v12 =	vld [tilespmem:s7+$0xFFFFFE10]  }
0x5f: {  	v13 =	vld [tilespmem:s7+$0xFFFFFE80]  }
0x60: {  	s10 =	simm.s32 $0x7;
	v14 =	vld [tilespmem:s7+$0xFFFFFE90]  }
0x61: {  	v15 =	vor.u32 s10, v0;
	v16 =	vld [tilespmem:s7+$0xFFFFFF00]  }
0x62: {  	s18 =	simm.s32 $0x1;
	v17 =	vor.u32 s10, v1;
	v18 =	vld [tilespmem:s7+$0xFFFFFF10];
	v10 =	vmul.f32 $5.656854150e+00, v10;
	v11 =	vmul.f32 $5.656854150e+00, v11  }
0x63: {  	v19 =	vor.u32 s18, v0;
	v22 =	vor.u32 s18, v1;
	v20 =	vld [tilespmem:s7+$0xFFFFFF80];
	v12 =	vmul.f32 $5.656854150e+00, v12  }
0x64: {  	s19 =	simm.s32 $0x2;
	v23 =	vld [tilespmem:s7+$0xFFFFFF90];
	v13 =	vmul.f32 $5.656854150e+00, v13;
	v21 =	vadd.f32 v10, v9;
	v11 =	vadd.f32 v11, v8  }
0x65: {  	v24 =	vld [tilespmem:s7+$0x0];
	v10 =	vadd.f32 v12, v8;
	v12 =	vmul.f32 $5.656854150e+00, v14;
	v14 =	vor.u32 s19, v0  }
0x66: {  	s22 =	simm.s32 $0x3;
	v13 =	vadd.f32 v13, v9;
	[tilespmem:v15+s21+$0x0] =	vst.idx.msk $0xffff, v21;
	v15 =	vmul.f32 $5.656854150e+00, v16;
	v16 =	vor.u32 s19, v1;
	v21 =	vld [tilespmem:s7+$0x10]  }
0x67: {  	v25 =	vld [tilespmem:s7+$0x80];
	[tilespmem:v17+s21+$0x0] =	vst.idx.msk $0xffff, v11;
	v11 =	vadd.f32 v12, v8;
	v12 =	vmul.f32 $5.656854150e+00, v18;
	v17 =	vor.u32 s22, v0  }
0x68: {  	s23 =	simm.s32 $0x4;
	v26 =	vld [tilespmem:s7+$0x90];
	[tilespmem:v19+s21+$0x0] =	vst.idx.msk $0xffff, v13;
	v19 =	vmul.f32 $5.656854150e+00, v20;
	v20 =	vor.u32 s22, v1;
	v13 =	vadd.f32 v15, v9  }
0x69: {  	v23 =	vmul.f32 $5.656854150e+00, v23;
	v18 =	vor.u32 s23, v0;
	v15 =	vld [tilespmem:s7+$0x100];
	[tilespmem:v22+s21+$0x0] =	vst.idx.msk $0xffff, v11;
	v22 =	vadd.f32 v12, v8  }
0x6a: {  	s24 =	simm.s32 $0x5;
	v24 =	vmul.f32 $5.656854150e+00, v24;
	v19 =	vadd.f32 v19, v9;
	v12 =	vor.u32 s23, v1;
	[tilespmem:v14+s21+$0x0] =	vst.idx.msk $0xffff, v13;
	v13 =	vld [tilespmem:s7+$0x110]  }
0x6b: {  	s10 =	simm.s32 $0x6A00;
	v23 =	vadd.f32 v23, v8;
	v11 =	vld [tilespmem:s7+$0xFFFFFE00];
	[tilespmem:v16+s21+$0x0] =	vst.idx.msk $0xffff, v22;
	v27 =	vmul.f32 $5.656854150e+00, v21;
	v16 =	vor.u32 s24, v0  }
0x6c: {  	s18 =	simm.s32 $0x0;
	s22 =	simm.s32 $0x6;
	v14 =	vld [tilespmem:s10+$0x180];
	v21 =	vadd.f32 v24, v9;
	v22 =	vmul.f32 $5.656854150e+00, v25;
	[tilespmem:v17+s21+$0x0] =	vst.idx.msk $0xffff, v19;
	v19 =	vor.u32 s24, v1  }
0x6d: {  	s8 =	simm.s32 $0x8;
	s19 =	simm.s32 $0x10;
	s7 =	sshll.u32 s6, $0x2;
	v24 =	vmul.f32 $5.656854150e+00, v26;
	v17 =	vld [tilespmem:s10+$0x190];
	[tilespmem:v20+s21+$0x0] =	vst.idx.msk $0xffff, v23;
	v23 =	vadd.f32 v27, v8;
	v20 =	vor.u32 s22, v0  }
.LBB2_3:
0x6e: {  	p1 =	slt.u32 s19, $0x78;
	v25 =	vld [tilespmem:s10+$0xFFFFFE10];
	[tilespmem:v18+s21+$0x0] =	vst.idx.msk $0xffff, v21;
	v18 =	vadd.f32 v22, v9;
	v15 =	vmul.f32 $5.656854150e+00, v15;
	v21 =	vor.u32 s22, v1  }
0x6f: {  	s22 =	sadd.s32 $0x7, s8;
	v26 =	vor.u32 s18, v0;
	v22 =	vld [tilespmem:s10+$0xFFFFFE80];
	[tilespmem:v12+s21+$0x0] =	vst.idx.msk $0xffff, v23;
	v12 =	vadd.f32 v24, v8;
	v13 =	vmul.f32 $5.656854150e+00, v13  }
0x70: {  	v24 =	vor.u32 s22, v0;
	v23 =	vld [tilespmem:s10+$0xFFFFFE90];
	v11 =	vmul.f32 $5.656854150e+00, v11;
	[tilespmem:v16+s21+$0x0] =	vst.idx.msk $0xffff, v18;
	v15 =	vadd.f32 v15, v9  }
0x71: {  	v18 =	vor.u32 s22, v1;
	v16 =	vld [tilespmem:s10+$0xFFFFFF00];
	v14 =	vmul.f32 $5.656854150e+00, v14;
	[tilespmem:v19+s21+$0x0] =	vst.idx.msk $0xffff, v12;
	v12 =	vadd.f32 v13, v8  }
0x72: {  	s22 =	sadd.s32 $0x1, s8;
	v19 =	vor.u32 s18, v1;
	s18 =	smov.u32 s8;
	s8 =	smov.u32 s19;
	v13 =	vld [tilespmem:s10+$0xFFFFFF10];
	v17 =	vmul.f32 $5.656854150e+00, v17;
	v11 =	vadd.f32 v11, v9;
	[tilespmem:v20+s21+$0x0] =	vst.idx.msk $0xffff, v15  }
0x73: {  	v20 =	vor.u32 s22, v0;
	v15 =	vmul.f32 $5.656854150e+00, v25;
	v25 =	vld [tilespmem:s10+$0xFFFFFF80];
	v14 =	vadd.f32 v14, v9;
	[tilespmem:v21+s21+$0x0] =	vst.idx.msk $0xffff, v12  }
0x74: {  	v21 =	vor.u32 s22, v1;
	s22 =	sadd.s32 $0x2, s18;
	v12 =	vmul.f32 $5.656854150e+00, v22;
	v22 =	vld [tilespmem:s10+$0xFFFFFF90];
	v17 =	vadd.f32 v17, v8;
	[tilespmem:v26+s21+$0x0] =	vst.idx.msk $0xffff, v11  }
0x75: {  	v11 =	vadd.f32 v15, v8;
	v15 =	vmul.f32 $5.656854150e+00, v23;
	v23 =	vor.u32 s22, v0;
	v26 =	vld [tilespmem:s10+$0x0];
	[tilespmem:v24+s21+$0x0] =	vst.idx.msk $0xffff, v14  }
0x76: {  	v12 =	vadd.f32 v12, v9;
	v14 =	vmul.f32 $5.656854150e+00, v16;
	v16 =	vor.u32 s22, v1;
	s22 =	sadd.s32 $0x3, s18;
	v24 =	vld [tilespmem:s10+$0x10];
	[tilespmem:v18+s21+$0x0] =	vst.idx.msk $0xffff, v17  }
0x77: {  	v15 =	vadd.f32 v15, v8;
	v13 =	vmul.f32 $5.656854150e+00, v13;
	v17 =	vor.u32 s22, v0;
	v27 =	vld [tilespmem:s10+$0x80];
	[tilespmem:v19+s21+$0x0] =	vst.idx.msk $0xffff, v10;
	v10 =	vmovc v11  }
0x78: {  	[tilespmem:v20+s21+$0x0] =	vst.idx.msk $0xffff, v12;
	v11 =	vadd.f32 v14, v9;
	v12 =	vmul.f32 $5.656854150e+00, v25;
	v20 =	vor.u32 s22, v1;
	s22 =	sadd.s32 $0x4, s18;
	v25 =	vld [tilespmem:s10+$0x90]  }
.Ltmp2:
0x79: {  	[tilespmem:v21+s21+$0x0] =	vst.idx.msk $0xffff, v15;
	v14 =	vadd.f32 v13, v8;
	v19 =	vmul.f32 $5.656854150e+00, v22;
	v18 =	vor.u32 s22, v0;
	v15 =	vld [tilespmem:s10+$0x100];
	(pc) =	sbr.rel @p1 .LBB2_3-.Ltmp2, $4  }
0x7a: {  	[tilespmem:v23+s21+$0x0] =	vst.idx.msk $0xffff, v11;
	v21 =	vadd.f32 v12, v9;
	v22 =	vmul.f32 $5.656854150e+00, v26;
	v12 =	vor.u32 s22, v1;
	s22 =	sadd.s32 $0x5, s18;
	v13 =	vld [tilespmem:s10+$0x110]  }
0x7b: {  	v11 =	vld [tilespmem:s10+$0xFFFFFE00];
	[tilespmem:v16+s21+$0x0] =	vst.idx.msk $0xffff, v14;
	v23 =	vadd.f32 v19, v8;
	v24 =	vmul.f32 $5.656854150e+00, v24;
	v16 =	vor.u32 s22, v0;
	s10 =	sadd.s32 $0x400, s10  }
0x7c: {  	v19 =	vor.u32 s22, v1;
	s22 =	sadd.s32 $0x6, s18;
	v14 =	vld [tilespmem:s10+$0x180];
	[tilespmem:v17+s21+$0x0] =	vst.idx.msk $0xffff, v21;
	v21 =	vadd.f32 v22, v9;
	v22 =	vmul.f32 $5.656854150e+00, v27  }
0x7d: {  	s19 =	sadd.s32 $0x8, s19;
	v17 =	vld [tilespmem:s10+$0x190];
	[tilespmem:v20+s21+$0x0] =	vst.idx.msk $0xffff, v23;
	v23 =	vadd.f32 v24, v8;
	v24 =	vmul.f32 $5.656854150e+00, v25;
	v20 =	vor.u32 s22, v0  }
0x7e: {  	_ =	sdelay $0x3  }
0x7f: {  	[tilespmem:v18+s21+$0x0] =	vst.idx.msk $0xffff, v21;
	v18 =	vadd.f32 v22, v9;
	v15 =	vmul.f32 $5.656854150e+00, v15;
	v21 =	vor.u32 s22, v1  }
0x80: {  	v22 =	vld [tilespmem:s10+$0xFFFFFE80];
	s19 =	sadd.s32 $0x7, s8;
	v25 =	vor.u32 s18, v0;
	[tilespmem:v12+s21+$0x0] =	vst.idx.msk $0xffff, v23;
	v12 =	vadd.f32 v24, v8;
	v13 =	vmul.f32 $5.656854150e+00, v13  }
0x81: {  	v23 =	vld [tilespmem:s10+$0xFFFFFE90];
	v24 =	vor.u32 s19, v0;
	v11 =	vmul.f32 $5.656854150e+00, v11;
	[tilespmem:v16+s21+$0x0] =	vst.idx.msk $0xffff, v18;
	v15 =	vadd.f32 v15, v9  }
0x82: {  	v16 =	vld [tilespmem:s10+$0xFFFFFF00];
	v18 =	vor.u32 s19, v1;
	v14 =	vmul.f32 $5.656854150e+00, v14;
	[tilespmem:v19+s21+$0x0] =	vst.idx.msk $0xffff, v12;
	v12 =	vadd.f32 v13, v8  }
0x83: {  	s23 =	sadd.s32 $0x1, s8;
	v13 =	vld [tilespmem:s10+$0xFFFFFF10];
	v19 =	vor.u32 s18, v1;
	v17 =	vmul.f32 $5.656854150e+00, v17;
	v11 =	vadd.f32 v11, v9;
	[tilespmem:v20+s21+$0x0] =	vst.idx.msk $0xffff, v15  }
0x84: {  	v15 =	vor.u32 s23, v0;
	v20 =	vld [tilespmem:s10+$0xFFFFFF80];
	v14 =	vadd.f32 v14, v9;
	[tilespmem:v21+s21+$0x0] =	vst.idx.msk $0xffff, v12  }
0x85: {  	s24 =	sadd.s32 $0x2, s8;
	v12 =	vmul.f32 $5.656854150e+00, v22;
	v21 =	vor.u32 s23, v1;
	v22 =	vld [tilespmem:s10+$0xFFFFFF90];
	v17 =	vadd.f32 v17, v8;
	[tilespmem:v25+s21+$0x0] =	vst.idx.msk $0xffff, v11  }
0x86: {  	v11 =	vmul.f32 $5.656854150e+00, v23;
	v23 =	vor.u32 s24, v0;
	v25 =	vld [tilespmem:s10+$0x0];
	[tilespmem:v24+s21+$0x0] =	vst.idx.msk $0xffff, v14  }
0x87: {  	s19 =	sadd.s32 $0x3, s8;
	v12 =	vadd.f32 v12, v9;
	v14 =	vmul.f32 $5.656854150e+00, v16;
	v16 =	vor.u32 s24, v1;
	v24 =	vld [tilespmem:s10+$0x10];
	[tilespmem:v18+s21+$0x0] =	vst.idx.msk $0xffff, v17  }
0x88: {  	v11 =	vadd.f32 v11, v8;
	v13 =	vmul.f32 $5.656854150e+00, v13;
	v17 =	vor.u32 s19, v0;
	v18 =	vld [tilespmem:s10+$0x80];
	[tilespmem:v19+s21+$0x0] =	vst.idx.msk $0xffff, v10  }
0x89: {  	s22 =	sadd.s32 $0x4, s8;
	[tilespmem:v15+s21+$0x0] =	vst.idx.msk $0xffff, v12;
	v10 =	vadd.f32 v14, v9;
	v12 =	vmul.f32 $5.656854150e+00, v20;
	v14 =	vor.u32 s19, v1;
	v15 =	vld [tilespmem:s10+$0x90]  }
0x8a: {  	v19 =	vor.u32 s22, v0;
	v20 =	vld [tilespmem:s10+$0x100];
	[tilespmem:v21+s21+$0x0] =	vst.idx.msk $0xffff, v11;
	v11 =	vadd.f32 v13, v8;
	v13 =	vmul.f32 $5.656854150e+00, v22  }
0x8b: {  	s23 =	sadd.s32 $0x5, s8;
	v21 =	vor.u32 s22, v1;
	v22 =	vld [tilespmem:s10+$0x110];
	[tilespmem:v23+s21+$0x0] =	vst.idx.msk $0xffff, v10;
	v10 =	vadd.f32 v12, v9;
	v12 =	vmul.f32 $5.656854150e+00, v25  }
0x8c: {  	v23 =	vld [tilespmem:s10+$0xFFFFFE00];
	[tilespmem:v16+s21+$0x0] =	vst.idx.msk $0xffff, v11;
	v11 =	vadd.f32 v13, v8;
	v13 =	vmul.f32 $5.656854150e+00, v24;
	v16 =	vor.u32 s23, v0  }
0x8d: {  	s24 =	sadd.s32 $0x6, s8;
	v24 =	vld [tilespmem:s10+$0xFFFFFE10];
	[tilespmem:v17+s21+$0x0] =	vst.idx.msk $0xffff, v10;
	v10 =	vadd.f32 v12, v9;
	v12 =	vmul.f32 $5.656854150e+00, v18;
	v17 =	vor.u32 s23, v1  }
0x8e: {  	[tilespmem:v14+s21+$0x0] =	vst.idx.msk $0xffff, v11;
	v11 =	vadd.f32 v13, v8;
	v13 =	vmul.f32 $5.656854150e+00, v15;
	v14 =	vor.u32 s24, v0  }
0x8f: {  	v15 =	vor.u32 s24, v1;
	[tilespmem:v19+s21+$0x0] =	vst.idx.msk $0xffff, v10;
	v10 =	vadd.f32 v12, v9;
	v12 =	vmul.f32 $5.656854150e+00, v20  }
0x90: {  	v18 =	vor.u32 s8, v0;
	[tilespmem:v21+s21+$0x0] =	vst.idx.msk $0xffff, v11;
	v11 =	vadd.f32 v13, v8;
	v13 =	vmul.f32 $5.656854150e+00, v22  }
0x91: {  	v19 =	vmul.f32 $5.656854150e+00, v23;
	[tilespmem:v16+s21+$0x0] =	vst.idx.msk $0xffff, v10;
	v10 =	vadd.f32 v12, v9;
	v12 =	vor.u32 s8, v1  }
0x92: {  	v16 =	vmul.f32 $5.656854150e+00, v24;
	[tilespmem:v17+s21+$0x0] =	vst.idx.msk $0xffff, v11;
	v11 =	vadd.f32 v13, v8  }
0x93: {  	s18 =	sshll.u32 s6, $0x13;
	v9 =	vadd.f32 v19, v9;
	[tilespmem:v14+s21+$0x0] =	vst.idx.msk $0xffff, v10  }
0x94: {  	s8 =	sor.u32 s4, s18;
	v8 =	vadd.f32 v16, v8;
	[tilespmem:v15+s21+$0x0] =	vst.idx.msk $0xffff, v11  }
0x95: {  	s8 =	sshrl.u32 s8, $0x3;
	[tilespmem:v18+s21+$0x0] =	vst.idx.msk $0xffff, v9  }
0x96: {  	s8 =	sadd.s32 s1, s8;
	[tilespmem:v12+s21+$0x0] =	vst.idx.msk $0xffff, v8  }
0x97: {  	[hbm4b:s8+s2] =	stream.linear.scatter [tilespmem:s21], [sflag:$0x5], $0x400, $0x38;
	[tilespmem:$0x1FD00] =	vst v63  }
0x98: {  	s22 =	simm.s32 $0x16C00;
	s19 =	sadd.s32 $0x1000, s8  }
0x99: {  	[hbm4b:s19+s2] =	stream.linear.scatter [tilespmem:s22], [sflag:$0x5], $0x400, $0x38;
	[tilespmem:$0x1FD00] =	vst v63  }
0x9a: {  	s24 =	simm.s32 $0x17400;
	s23 =	sadd.s32 $0x2000, s8  }
0x9b: {  	[hbm4b:s23+s2] =	stream.linear.scatter [tilespmem:s24], [sflag:$0x5], $0x400, $0x38;
	[tilespmem:$0x1FD00] =	vst v63  }
0x9c: {  	p1 =	seq.s32 s6, $0x31;
	s18 =	simm.s32 $0x17C00;
	s8 =	sadd.s32 $0x3000, s8  }
0x9d: {  	[hbm4b:s8+s2] =	stream.linear.scatter [tilespmem:s18], [sflag:$0x5], $0x400, $0x38;
	[tilespmem:$0x1FD00] =	vst v63  }
0x9e: {  	s8 =	sshll.u32 @!p1 s6, $0x9  }
0x9f: {  	s8 =	sand.u32 @!p1 $0x3FFFFE00, s8  }
0xa0: {  	s19 =	simm.s32 @!p1 $0x6400;
	s18 =	simm.s32 @!p1 $0x80;
	s10 =	sadd.s32 @!p1 $0x200, s8  }
0xa1: {  	[tilespmem:s19], [sflag:$0x1] =	stream.indirect.gather @!p1 [hbm4b:s5+s18], $0x80, s10, s18, $0xb8;
	[tilespmem:$0x1FD00] =	vst v63  }
0xa2: {  	_ =	swait.ge [sflag:s25], $0x4000  }
0xa3: {  	[sflag:s25] =	ssyncset.done $0x0  }
0xa4: {  	s18 =	simm.s32 @!p0 $0x6;
	[sflag:s25] =	ssyncadd.s32 $0xFFFFC000  }
0xa5: {  	_ =	swait.ge @!p0 [sflag:s18], $0x1000  }
0xa6: {  	s10 =	sor.u32 $0x1, s7;
	[sflag:s18] =	ssyncset.done @!p0 $0x0  }
0xa7: {  	s19 =	sshll.u32 s10, $0x5;
	[sflag:s18] =	ssyncadd.s32 @!p0 $0xFFFFF000  }
0xa8: {  	s18 =	sor.u32 $0x30, s19;
	v9 =	vld [tilespmem:s19+$0x1E400]  }
0xa9: {  	v8 =	vld [tilespmem:s18+$0x1E400];
	s18 =	simm.s32 $0xA790  }
0xaa: {  	v10 =	vld [tilespmem:s18+$0xFFFFFFF0]  }
0xab: {  	v11 =	vld [tilespmem:s18+$0x0]  }
0xac: {  	v12 =	vld [tilespmem:s18+$0xFFFFFC80]  }
0xad: {  	v13 =	vld [tilespmem:s18+$0xFFFFFCF0]  }
0xae: {  	s22 =	simm.s32 $0x7;
	v14 =	vld [tilespmem:s18+$0xFFFFFD00]  }
0xaf: {  	v15 =	vor.u32 s22, v2;
	v16 =	vld [tilespmem:s18+$0xFFFFFD70]  }
0xb0: {  	v17 =	vor.u32 s22, v3;
	s23 =	simm.s32 $0x1;
	v18 =	vld [tilespmem:s18+$0xFFFFFD80];
	v10 =	vmul.f32 $5.656854150e+00, v10;
	v11 =	vmul.f32 $5.656854150e+00, v11  }
0xb1: {  	v19 =	vor.u32 s23, v2;
	v22 =	vor.u32 s23, v3;
	v20 =	vld [tilespmem:s18+$0xFFFFFDF0];
	v12 =	vmul.f32 $5.656854150e+00, v12  }
0xb2: {  	s24 =	simm.s32 $0x2;
	v23 =	vld [tilespmem:s18+$0xFFFFFE00];
	v13 =	vmul.f32 $5.656854150e+00, v13;
	v21 =	vadd.f32 v10, v9;
	v11 =	vadd.f32 v11, v8  }
0xb3: {  	v24 =	vld [tilespmem:s18+$0xFFFFFE70];
	v10 =	vadd.f32 v12, v8;
	v12 =	vmul.f32 $5.656854150e+00, v14;
	v14 =	vor.u32 s24, v2  }
0xb4: {  	s22 =	simm.s32 $0x3;
	v13 =	vadd.f32 v13, v9;
	[tilespmem:v15+s21+$0x0] =	vst.idx.msk $0xffff, v21;
	v15 =	vmul.f32 $5.656854150e+00, v16;
	v16 =	vor.u32 s24, v3;
	v21 =	vld [tilespmem:s18+$0xFFFFFE80]  }
0xb5: {  	v25 =	vld [tilespmem:s18+$0xFFFFFEF0];
	[tilespmem:v17+s21+$0x0] =	vst.idx.msk $0xffff, v11;
	v11 =	vadd.f32 v12, v8;
	v12 =	vmul.f32 $5.656854150e+00, v18;
	v17 =	vor.u32 s22, v2  }
0xb6: {  	s23 =	simm.s32 $0x4;
	v26 =	vld [tilespmem:s18+$0xFFFFFF00];
	[tilespmem:v19+s21+$0x0] =	vst.idx.msk $0xffff, v13;
	v19 =	vmul.f32 $5.656854150e+00, v20;
	v20 =	vor.u32 s22, v3;
	v13 =	vadd.f32 v15, v9  }
0xb7: {  	v23 =	vmul.f32 $5.656854150e+00, v23;
	v18 =	vor.u32 s23, v2;
	v15 =	vld [tilespmem:s18+$0xFFFFFF70];
	[tilespmem:v22+s21+$0x0] =	vst.idx.msk $0xffff, v11;
	v22 =	vadd.f32 v12, v8  }
0xb8: {  	v24 =	vmul.f32 $5.656854150e+00, v24;
	s24 =	simm.s32 $0x5;
	v19 =	vadd.f32 v19, v9;
	v12 =	vor.u32 s23, v3;
	[tilespmem:v14+s21+$0x0] =	vst.idx.msk $0xffff, v13;
	v13 =	vld [tilespmem:s18+$0xFFFFFF80]  }
0xb9: {  	s19 =	simm.s32 $0xAB90;
	v23 =	vadd.f32 v23, v8;
	v11 =	vld [tilespmem:s18+$0xFFFFFC70];
	[tilespmem:v16+s21+$0x0] =	vst.idx.msk $0xffff, v22;
	v27 =	vmul.f32 $5.656854150e+00, v21;
	v16 =	vor.u32 s24, v2  }
0xba: {  	v14 =	vld [tilespmem:s19+$0xFFFFFFF0];
	v21 =	vadd.f32 v24, v9;
	v22 =	vmul.f32 $5.656854150e+00, v25;
	[tilespmem:v17+s21+$0x0] =	vst.idx.msk $0xffff, v19;
	v19 =	vor.u32 s24, v3;
	s24 =	simm.s32 $0x6  }
0xbb: {  	s22 =	simm.s32 $0x0;
	s23 =	simm.s32 $0x10;
	s18 =	simm.s32 $0x8;
	v24 =	vmul.f32 $5.656854150e+00, v26;
	v17 =	vld [tilespmem:s19+$0x0];
	[tilespmem:v20+s21+$0x0] =	vst.idx.msk $0xffff, v23;
	v23 =	vadd.f32 v27, v8;
	v20 =	vor.u32 s24, v2  }
.LBB2_5:
0xbc: {  	p2 =	slt.u32 s23, $0x78;
	v25 =	vld [tilespmem:s19+$0xFFFFFC80];
	[tilespmem:v18+s21+$0x0] =	vst.idx.msk $0xffff, v21;
	v18 =	vadd.f32 v22, v9;
	v15 =	vmul.f32 $5.656854150e+00, v15;
	v21 =	vor.u32 s24, v3  }
0xbd: {  	s24 =	sadd.s32 $0x7, s18;
	v26 =	vor.u32 s22, v2;
	v22 =	vld [tilespmem:s19+$0xFFFFFCF0];
	[tilespmem:v12+s21+$0x0] =	vst.idx.msk $0xffff, v23;
	v12 =	vadd.f32 v24, v8;
	v13 =	vmul.f32 $5.656854150e+00, v13  }
0xbe: {  	v24 =	vor.u32 s24, v2;
	v23 =	vld [tilespmem:s19+$0xFFFFFD00];
	v11 =	vmul.f32 $5.656854150e+00, v11;
	[tilespmem:v16+s21+$0x0] =	vst.idx.msk $0xffff, v18;
	v15 =	vadd.f32 v15, v9  }
0xbf: {  	v18 =	vor.u32 s24, v3;
	v16 =	vld [tilespmem:s19+$0xFFFFFD70];
	v14 =	vmul.f32 $5.656854150e+00, v14;
	[tilespmem:v19+s21+$0x0] =	vst.idx.msk $0xffff, v12;
	v12 =	vadd.f32 v13, v8  }
0xc0: {  	s24 =	sadd.s32 $0x1, s18;
	v19 =	vor.u32 s22, v3;
	s22 =	smov.u32 s18;
	s18 =	smov.u32 s23;
	v13 =	vld [tilespmem:s19+$0xFFFFFD80];
	v17 =	vmul.f32 $5.656854150e+00, v17;
	v11 =	vadd.f32 v11, v9;
	[tilespmem:v20+s21+$0x0] =	vst.idx.msk $0xffff, v15  }
0xc1: {  	v20 =	vor.u32 s24, v2;
	v15 =	vmul.f32 $5.656854150e+00, v25;
	v25 =	vld [tilespmem:s19+$0xFFFFFDF0];
	v14 =	vadd.f32 v14, v9;
	[tilespmem:v21+s21+$0x0] =	vst.idx.msk $0xffff, v12  }
0xc2: {  	v21 =	vor.u32 s24, v3;
	s24 =	sadd.s32 $0x2, s22;
	v12 =	vmul.f32 $5.656854150e+00, v22;
	v22 =	vld [tilespmem:s19+$0xFFFFFE00];
	v17 =	vadd.f32 v17, v8;
	[tilespmem:v26+s21+$0x0] =	vst.idx.msk $0xffff, v11  }
0xc3: {  	v11 =	vadd.f32 v15, v8;
	v15 =	vmul.f32 $5.656854150e+00, v23;
	v23 =	vor.u32 s24, v2;
	v26 =	vld [tilespmem:s19+$0xFFFFFE70];
	[tilespmem:v24+s21+$0x0] =	vst.idx.msk $0xffff, v14  }
0xc4: {  	v12 =	vadd.f32 v12, v9;
	v14 =	vmul.f32 $5.656854150e+00, v16;
	v16 =	vor.u32 s24, v3;
	s24 =	sadd.s32 $0x3, s22;
	v24 =	vld [tilespmem:s19+$0xFFFFFE80];
	[tilespmem:v18+s21+$0x0] =	vst.idx.msk $0xffff, v17  }
0xc5: {  	v15 =	vadd.f32 v15, v8;
	v13 =	vmul.f32 $5.656854150e+00, v13;
	v17 =	vor.u32 s24, v2;
	v27 =	vld [tilespmem:s19+$0xFFFFFEF0];
	[tilespmem:v19+s21+$0x0] =	vst.idx.msk $0xffff, v10;
	v10 =	vmovc v11  }
0xc6: {  	[tilespmem:v20+s21+$0x0] =	vst.idx.msk $0xffff, v12;
	v11 =	vadd.f32 v14, v9;
	v12 =	vmul.f32 $5.656854150e+00, v25;
	v20 =	vor.u32 s24, v3;
	s24 =	sadd.s32 $0x4, s22;
	v25 =	vld [tilespmem:s19+$0xFFFFFF00]  }
.Ltmp3:
0xc7: {  	[tilespmem:v21+s21+$0x0] =	vst.idx.msk $0xffff, v15;
	v14 =	vadd.f32 v13, v8;
	v19 =	vmul.f32 $5.656854150e+00, v22;
	v18 =	vor.u32 s24, v2;
	v15 =	vld [tilespmem:s19+$0xFFFFFF70];
	(pc) =	sbr.rel @p2 .LBB2_5-.Ltmp3, $4  }
0xc8: {  	[tilespmem:v23+s21+$0x0] =	vst.idx.msk $0xffff, v11;
	v21 =	vadd.f32 v12, v9;
	v22 =	vmul.f32 $5.656854150e+00, v26;
	v12 =	vor.u32 s24, v3;
	s24 =	sadd.s32 $0x5, s22;
	v13 =	vld [tilespmem:s19+$0xFFFFFF80]  }
0xc9: {  	v11 =	vld [tilespmem:s19+$0xFFFFFC70];
	[tilespmem:v16+s21+$0x0] =	vst.idx.msk $0xffff, v14;
	v23 =	vadd.f32 v19, v8;
	v24 =	vmul.f32 $5.656854150e+00, v24;
	v16 =	vor.u32 s24, v2;
	s19 =	sadd.s32 $0x400, s19  }
0xca: {  	v19 =	vor.u32 s24, v3;
	s24 =	sadd.s32 $0x6, s22;
	v14 =	vld [tilespmem:s19+$0xFFFFFFF0];
	[tilespmem:v17+s21+$0x0] =	vst.idx.msk $0xffff, v21;
	v21 =	vadd.f32 v22, v9;
	v22 =	vmul.f32 $5.656854150e+00, v27  }
0xcb: {  	s23 =	sadd.s32 $0x8, s23;
	v17 =	vld [tilespmem:s19+$0x0];
	[tilespmem:v20+s21+$0x0] =	vst.idx.msk $0xffff, v23;
	v23 =	vadd.f32 v24, v8;
	v24 =	vmul.f32 $5.656854150e+00, v25;
	v20 =	vor.u32 s24, v2  }
0xcc: {  	_ =	sdelay $0x3  }
0xcd: {  	[tilespmem:v18+s21+$0x0] =	vst.idx.msk $0xffff, v21;
	v18 =	vadd.f32 v22, v9;
	v15 =	vmul.f32 $5.656854150e+00, v15;
	v21 =	vor.u32 s24, v3  }
0xce: {  	v22 =	vld [tilespmem:s19+$0xFFFFFCF0];
	s23 =	sadd.s32 $0x7, s18;
	v25 =	vor.u32 s22, v2;
	[tilespmem:v12+s21+$0x0] =	vst.idx.msk $0xffff, v23;
	v12 =	vadd.f32 v24, v8;
	v13 =	vmul.f32 $5.656854150e+00, v13  }
0xcf: {  	v23 =	vld [tilespmem:s19+$0xFFFFFD00];
	v24 =	vor.u32 s23, v2;
	v11 =	vmul.f32 $5.656854150e+00, v11;
	[tilespmem:v16+s21+$0x0] =	vst.idx.msk $0xffff, v18;
	v15 =	vadd.f32 v15, v9  }
0xd0: {  	v16 =	vld [tilespmem:s19+$0xFFFFFD70];
	v18 =	vor.u32 s23, v3;
	v14 =	vmul.f32 $5.656854150e+00, v14;
	[tilespmem:v19+s21+$0x0] =	vst.idx.msk $0xffff, v12;
	v12 =	vadd.f32 v13, v8  }
0xd1: {  	s24 =	sadd.s32 $0x1, s18;
	v13 =	vld [tilespmem:s19+$0xFFFFFD80];
	v19 =	vor.u32 s22, v3;
	v17 =	vmul.f32 $5.656854150e+00, v17;
	v11 =	vadd.f32 v11, v9;
	[tilespmem:v20+s21+$0x0] =	vst.idx.msk $0xffff, v15  }
0xd2: {  	v15 =	vor.u32 s24, v2;
	v20 =	vld [tilespmem:s19+$0xFFFFFDF0];
	v14 =	vadd.f32 v14, v9;
	[tilespmem:v21+s21+$0x0] =	vst.idx.msk $0xffff, v12  }
0xd3: {  	s23 =	sadd.s32 $0x2, s18;
	v12 =	vmul.f32 $5.656854150e+00, v22;
	v21 =	vor.u32 s24, v3;
	v22 =	vld [tilespmem:s19+$0xFFFFFE00];
	v17 =	vadd.f32 v17, v8;
	[tilespmem:v25+s21+$0x0] =	vst.idx.msk $0xffff, v11  }
0xd4: {  	v11 =	vmul.f32 $5.656854150e+00, v23;
	v23 =	vor.u32 s23, v2;
	v25 =	vld [tilespmem:s19+$0xFFFFFE70];
	[tilespmem:v24+s21+$0x0] =	vst.idx.msk $0xffff, v14  }
0xd5: {  	s24 =	sadd.s32 $0x3, s18;
	v12 =	vadd.f32 v12, v9;
	v14 =	vmul.f32 $5.656854150e+00, v16;
	v16 =	vor.u32 s23, v3;
	v24 =	vld [tilespmem:s19+$0xFFFFFE80];
	[tilespmem:v18+s21+$0x0] =	vst.idx.msk $0xffff, v17  }
0xd6: {  	v11 =	vadd.f32 v11, v8;
	v13 =	vmul.f32 $5.656854150e+00, v13;
	v17 =	vor.u32 s24, v2;
	v18 =	vld [tilespmem:s19+$0xFFFFFEF0];
	[tilespmem:v19+s21+$0x0] =	vst.idx.msk $0xffff, v10  }
0xd7: {  	s23 =	sadd.s32 $0x4, s18;
	[tilespmem:v15+s21+$0x0] =	vst.idx.msk $0xffff, v12;
	v10 =	vadd.f32 v14, v9;
	v12 =	vmul.f32 $5.656854150e+00, v20;
	v14 =	vor.u32 s24, v3;
	v15 =	vld [tilespmem:s19+$0xFFFFFF00]  }
0xd8: {  	v19 =	vor.u32 s23, v2;
	v20 =	vld [tilespmem:s19+$0xFFFFFF70];
	[tilespmem:v21+s21+$0x0] =	vst.idx.msk $0xffff, v11;
	v11 =	vadd.f32 v13, v8;
	v13 =	vmul.f32 $5.656854150e+00, v22  }
0xd9: {  	s24 =	sadd.s32 $0x5, s18;
	v21 =	vor.u32 s23, v3;
	v22 =	vld [tilespmem:s19+$0xFFFFFF80];
	[tilespmem:v23+s21+$0x0] =	vst.idx.msk $0xffff, v10;
	v10 =	vadd.f32 v12, v9;
	v12 =	vmul.f32 $5.656854150e+00, v25  }
0xda: {  	v23 =	vld [tilespmem:s19+$0xFFFFFC70];
	[tilespmem:v16+s21+$0x0] =	vst.idx.msk $0xffff, v11;
	v11 =	vadd.f32 v13, v8;
	v13 =	vmul.f32 $5.656854150e+00, v24;
	v16 =	vor.u32 s24, v2  }
0xdb: {  	s22 =	sadd.s32 $0x6, s18;
	v24 =	vld [tilespmem:s19+$0xFFFFFC80];
	[tilespmem:v17+s21+$0x0] =	vst.idx.msk $0xffff, v10;
	v10 =	vadd.f32 v12, v9;
	v12 =	vmul.f32 $5.656854150e+00, v18;
	v17 =	vor.u32 s24, v3  }
0xdc: {  	[tilespmem:v14+s21+$0x0] =	vst.idx.msk $0xffff, v11;
	v11 =	vadd.f32 v13, v8;
	v13 =	vmul.f32 $5.656854150e+00, v15;
	v14 =	vor.u32 s22, v2  }
0xdd: {  	v15 =	vor.u32 s22, v3;
	[tilespmem:v19+s21+$0x0] =	vst.idx.msk $0xffff, v10;
	v10 =	vadd.f32 v12, v9;
	v12 =	vmul.f32 $5.656854150e+00, v20  }
0xde: {  	v18 =	vor.u32 s18, v2;
	[tilespmem:v21+s21+$0x0] =	vst.idx.msk $0xffff, v11;
	v11 =	vadd.f32 v13, v8;
	v13 =	vmul.f32 $5.656854150e+00, v22  }
0xdf: {  	v19 =	vmul.f32 $5.656854150e+00, v23;
	[tilespmem:v16+s21+$0x0] =	vst.idx.msk $0xffff, v10;
	v10 =	vadd.f32 v12, v9;
	v12 =	vor.u32 s18, v3  }
0xe0: {  	v16 =	vmul.f32 $5.656854150e+00, v24;
	[tilespmem:v17+s21+$0x0] =	vst.idx.msk $0xffff, v11;
	v11 =	vadd.f32 v13, v8  }
0xe1: {  	s10 =	sshll.u32 s10, $0x11;
	v9 =	vadd.f32 v19, v9;
	[tilespmem:v14+s21+$0x0] =	vst.idx.msk $0xffff, v10  }
0xe2: {  	s10 =	sor.u32 s4, s10;
	v8 =	vadd.f32 v16, v8;
	[tilespmem:v15+s21+$0x0] =	vst.idx.msk $0xffff, v11  }
0xe3: {  	s10 =	sshrl.u32 s10, $0x3;
	[tilespmem:v18+s21+$0x0] =	vst.idx.msk $0xffff, v9  }
0xe4: {  	s10 =	sadd.s32 s1, s10;
	[tilespmem:v12+s21+$0x0] =	vst.idx.msk $0xffff, v8  }
0xe5: {  	[hbm4b:s10+s2] =	stream.linear.scatter [tilespmem:s26], [sflag:$0x6], $0x400, $0x38;
	[tilespmem:$0x1FD00] =	vst v63  }
0xe6: {  	s23 =	sadd.s32 $0x1000, s10  }
0xe7: {  	[hbm4b:s23+s2] =	stream.linear.scatter [tilespmem:s28], [sflag:$0x6], $0x400, $0x38;
	[tilespmem:$0x1FD00] =	vst v63  }
0xe8: {  	s24 =	sadd.s32 $0x2000, s10  }
0xe9: {  	[hbm4b:s24+s2] =	stream.linear.scatter [tilespmem:s29], [sflag:$0x6], $0x400, $0x38;
	[tilespmem:$0x1FD00] =	vst v63  }
0xea: {  	s10 =	sadd.s32 $0x3000, s10  }
0xeb: {  	[hbm4b:s10+s2] =	stream.linear.scatter [tilespmem:s30], [sflag:$0x6], $0x400, $0x38;
	[tilespmem:$0x1FD00] =	vst v63  }
0xec: {  	s19 =	simm.s32 @!p1 $0xA400;
	s18 =	simm.s32 @!p1 $0x80;
	s10 =	sadd.s32 @!p1 $0x280, s8  }
0xed: {  	[tilespmem:s19], [sflag:$0x2] =	stream.indirect.gather @!p1 [hbm4b:s5+s18], $0x80, s10, s18, $0xb8;
	[tilespmem:$0x1FD00] =	vst v63  }
0xee: {  	_ =	swait.ge [sflag:s31], $0x4000  }
0xef: {  	[sflag:s31] =	ssyncset.done $0x0  }
0xf0: {  	s18 =	simm.s32 @!p0 $0x7;
	[sflag:s31] =	ssyncadd.s32 $0xFFFFC000  }
0xf1: {  	_ =	swait.ge @!p0 [sflag:s18], $0x1000  }
0xf2: {  	s10 =	sor.u32 $0x2, s7;
	[sflag:s18] =	ssyncset.done @!p0 $0x0  }
0xf3: {  	s19 =	sshll.u32 s10, $0x5;
	[sflag:s18] =	ssyncadd.s32 @!p0 $0xFFFFF000  }
0xf4: {  	s18 =	sor.u32 $0x50, s19;
	v9 =	vld [tilespmem:s19+$0x1E400]  }
0xf5: {  	v8 =	vld [tilespmem:s18+$0x1E400];
	s18 =	simm.s32 $0xE790  }
0xf6: {  	v10 =	vld [tilespmem:s18+$0xFFFFFFF0]  }
0xf7: {  	v11 =	vld [tilespmem:s18+$0x0]  }
0xf8: {  	v12 =	vld [tilespmem:s18+$0xFFFFFC80]  }
0xf9: {  	v13 =	vld [tilespmem:s18+$0xFFFFFCF0]  }
0xfa: {  	s22 =	simm.s32 $0x7;
	v14 =	vld [tilespmem:s18+$0xFFFFFD00]  }
0xfb: {  	v15 =	vor.u32 s22, v4;
	v16 =	vld [tilespmem:s18+$0xFFFFFD70]  }
0xfc: {  	v17 =	vor.u32 s22, v5;
	s23 =	simm.s32 $0x1;
	v18 =	vld [tilespmem:s18+$0xFFFFFD80];
	v10 =	vmul.f32 $5.656854150e+00, v10;
	v11 =	vmul.f32 $5.656854150e+00, v11  }
0xfd: {  	v19 =	vor.u32 s23, v4;
	v22 =	vor.u32 s23, v5;
	v20 =	vld [tilespmem:s18+$0xFFFFFDF0];
	v12 =	vmul.f32 $5.656854150e+00, v12  }
0xfe: {  	s24 =	simm.s32 $0x2;
	v23 =	vld [tilespmem:s18+$0xFFFFFE00];
	v13 =	vmul.f32 $5.656854150e+00, v13;
	v21 =	vadd.f32 v10, v9;
	v11 =	vadd.f32 v11, v8  }
0xff: {  	v24 =	vld [tilespmem:s18+$0xFFFFFE70];
	v10 =	vadd.f32 v12, v8;
	v12 =	vmul.f32 $5.656854150e+00, v14;
	v14 =	vor.u32 s24, v4  }
0x100: {  	s22 =	simm.s32 $0x3;
	v13 =	vadd.f32 v13, v9;
	[tilespmem:v15+s21+$0x0] =	vst.idx.msk $0xffff, v21;
	v15 =	vmul.f32 $5.656854150e+00, v16;
	v16 =	vor.u32 s24, v5;
	v21 =	vld [tilespmem:s18+$0xFFFFFE80]  }
0x101: {  	v25 =	vld [tilespmem:s18+$0xFFFFFEF0];
	[tilespmem:v17+s21+$0x0] =	vst.idx.msk $0xffff, v11;
	v11 =	vadd.f32 v12, v8;
	v12 =	vmul.f32 $5.656854150e+00, v18;
	v17 =	vor.u32 s22, v4  }
0x102: {  	s23 =	simm.s32 $0x4;
	v26 =	vld [tilespmem:s18+$0xFFFFFF00];
	[tilespmem:v19+s21+$0x0] =	vst.idx.msk $0xffff, v13;
	v19 =	vmul.f32 $5.656854150e+00, v20;
	v20 =	vor.u32 s22, v5;
	v13 =	vadd.f32 v15, v9  }
0x103: {  	v23 =	vmul.f32 $5.656854150e+00, v23;
	v18 =	vor.u32 s23, v4;
	v15 =	vld [tilespmem:s18+$0xFFFFFF70];
	[tilespmem:v22+s21+$0x0] =	vst.idx.msk $0xffff, v11;
	v22 =	vadd.f32 v12, v8  }
0x104: {  	v24 =	vmul.f32 $5.656854150e+00, v24;
	s24 =	simm.s32 $0x5;
	v19 =	vadd.f32 v19, v9;
	v12 =	vor.u32 s23, v5;
	[tilespmem:v14+s21+$0x0] =	vst.idx.msk $0xffff, v13;
	v13 =	vld [tilespmem:s18+$0xFFFFFF80]  }
0x105: {  	s19 =	simm.s32 $0xEB90;
	v23 =	vadd.f32 v23, v8;
	v11 =	vld [tilespmem:s18+$0xFFFFFC70];
	[tilespmem:v16+s21+$0x0] =	vst.idx.msk $0xffff, v22;
	v27 =	vmul.f32 $5.656854150e+00, v21;
	v16 =	vor.u32 s24, v4  }
0x106: {  	v14 =	vld [tilespmem:s19+$0xFFFFFFF0];
	v21 =	vadd.f32 v24, v9;
	v22 =	vmul.f32 $5.656854150e+00, v25;
	[tilespmem:v17+s21+$0x0] =	vst.idx.msk $0xffff, v19;
	v19 =	vor.u32 s24, v5;
	s24 =	simm.s32 $0x6  }
0x107: {  	s22 =	simm.s32 $0x0;
	s23 =	simm.s32 $0x10;
	s18 =	simm.s32 $0x8;
	v24 =	vmul.f32 $5.656854150e+00, v26;
	v17 =	vld [tilespmem:s19+$0x0];
	[tilespmem:v20+s21+$0x0] =	vst.idx.msk $0xffff, v23;
	v23 =	vadd.f32 v27, v8;
	v20 =	vor.u32 s24, v4  }
.LBB2_7:
0x108: {  	p2 =	slt.u32 s23, $0x78;
	v25 =	vld [tilespmem:s19+$0xFFFFFC80];
	[tilespmem:v18+s21+$0x0] =	vst.idx.msk $0xffff, v21;
	v18 =	vadd.f32 v22, v9;
	v15 =	vmul.f32 $5.656854150e+00, v15;
	v21 =	vor.u32 s24, v5  }
0x109: {  	s24 =	sadd.s32 $0x7, s18;
	v26 =	vor.u32 s22, v4;
	v22 =	vld [tilespmem:s19+$0xFFFFFCF0];
	[tilespmem:v12+s21+$0x0] =	vst.idx.msk $0xffff, v23;
	v12 =	vadd.f32 v24, v8;
	v13 =	vmul.f32 $5.656854150e+00, v13  }
0x10a: {  	v24 =	vor.u32 s24, v4;
	v23 =	vld [tilespmem:s19+$0xFFFFFD00];
	v11 =	vmul.f32 $5.656854150e+00, v11;
	[tilespmem:v16+s21+$0x0] =	vst.idx.msk $0xffff, v18;
	v15 =	vadd.f32 v15, v9  }
0x10b: {  	v18 =	vor.u32 s24, v5;
	v16 =	vld [tilespmem:s19+$0xFFFFFD70];
	v14 =	vmul.f32 $5.656854150e+00, v14;
	[tilespmem:v19+s21+$0x0] =	vst.idx.msk $0xffff, v12;
	v12 =	vadd.f32 v13, v8  }
0x10c: {  	s24 =	sadd.s32 $0x1, s18;
	v19 =	vor.u32 s22, v5;
	s22 =	smov.u32 s18;
	s18 =	smov.u32 s23;
	v13 =	vld [tilespmem:s19+$0xFFFFFD80];
	v17 =	vmul.f32 $5.656854150e+00, v17;
	v11 =	vadd.f32 v11, v9;
	[tilespmem:v20+s21+$0x0] =	vst.idx.msk $0xffff, v15  }
0x10d: {  	v20 =	vor.u32 s24, v4;
	v15 =	vmul.f32 $5.656854150e+00, v25;
	v25 =	vld [tilespmem:s19+$0xFFFFFDF0];
	v14 =	vadd.f32 v14, v9;
	[tilespmem:v21+s21+$0x0] =	vst.idx.msk $0xffff, v12  }
0x10e: {  	v21 =	vor.u32 s24, v5;
	s24 =	sadd.s32 $0x2, s22;
	v12 =	vmul.f32 $5.656854150e+00, v22;
	v22 =	vld [tilespmem:s19+$0xFFFFFE00];
	v17 =	vadd.f32 v17, v8;
	[tilespmem:v26+s21+$0x0] =	vst.idx.msk $0xffff, v11  }
0x10f: {  	v11 =	vadd.f32 v15, v8;
	v15 =	vmul.f32 $5.656854150e+00, v23;
	v23 =	vor.u32 s24, v4;
	v26 =	vld [tilespmem:s19+$0xFFFFFE70];
	[tilespmem:v24+s21+$0x0] =	vst.idx.msk $0xffff, v14  }
0x110: {  	v12 =	vadd.f32 v12, v9;
	v14 =	vmul.f32 $5.656854150e+00, v16;
	v16 =	vor.u32 s24, v5;
	s24 =	sadd.s32 $0x3, s22;
	v24 =	vld [tilespmem:s19+$0xFFFFFE80];
	[tilespmem:v18+s21+$0x0] =	vst.idx.msk $0xffff, v17  }
0x111: {  	v15 =	vadd.f32 v15, v8;
	v13 =	vmul.f32 $5.656854150e+00, v13;
	v17 =	vor.u32 s24, v4;
	v27 =	vld [tilespmem:s19+$0xFFFFFEF0];
	[tilespmem:v19+s21+$0x0] =	vst.idx.msk $0xffff, v10;
	v10 =	vmovc v11  }
0x112: {  	[tilespmem:v20+s21+$0x0] =	vst.idx.msk $0xffff, v12;
	v11 =	vadd.f32 v14, v9;
	v12 =	vmul.f32 $5.656854150e+00, v25;
	v20 =	vor.u32 s24, v5;
	s24 =	sadd.s32 $0x4, s22;
	v25 =	vld [tilespmem:s19+$0xFFFFFF00]  }
.Ltmp4:
0x113: {  	[tilespmem:v21+s21+$0x0] =	vst.idx.msk $0xffff, v15;
	v14 =	vadd.f32 v13, v8;
	v19 =	vmul.f32 $5.656854150e+00, v22;
	v18 =	vor.u32 s24, v4;
	v15 =	vld [tilespmem:s19+$0xFFFFFF70];
	(pc) =	sbr.rel @p2 .LBB2_7-.Ltmp4, $4  }
0x114: {  	[tilespmem:v23+s21+$0x0] =	vst.idx.msk $0xffff, v11;
	v21 =	vadd.f32 v12, v9;
	v22 =	vmul.f32 $5.656854150e+00, v26;
	v12 =	vor.u32 s24, v5;
	s24 =	sadd.s32 $0x5, s22;
	v13 =	vld [tilespmem:s19+$0xFFFFFF80]  }
0x115: {  	v11 =	vld [tilespmem:s19+$0xFFFFFC70];
	[tilespmem:v16+s21+$0x0] =	vst.idx.msk $0xffff, v14;
	v23 =	vadd.f32 v19, v8;
	v24 =	vmul.f32 $5.656854150e+00, v24;
	v16 =	vor.u32 s24, v4;
	s19 =	sadd.s32 $0x400, s19  }
0x116: {  	v19 =	vor.u32 s24, v5;
	s24 =	sadd.s32 $0x6, s22;
	v14 =	vld [tilespmem:s19+$0xFFFFFFF0];
	[tilespmem:v17+s21+$0x0] =	vst.idx.msk $0xffff, v21;
	v21 =	vadd.f32 v22, v9;
	v22 =	vmul.f32 $5.656854150e+00, v27  }
0x117: {  	s23 =	sadd.s32 $0x8, s23;
	v17 =	vld [tilespmem:s19+$0x0];
	[tilespmem:v20+s21+$0x0] =	vst.idx.msk $0xffff, v23;
	v23 =	vadd.f32 v24, v8;
	v24 =	vmul.f32 $5.656854150e+00, v25;
	v20 =	vor.u32 s24, v4  }
0x118: {  	_ =	sdelay $0x3  }
0x119: {  	[tilespmem:v18+s21+$0x0] =	vst.idx.msk $0xffff, v21;
	v18 =	vadd.f32 v22, v9;
	v15 =	vmul.f32 $5.656854150e+00, v15;
	v21 =	vor.u32 s24, v5  }
0x11a: {  	v22 =	vld [tilespmem:s19+$0xFFFFFCF0];
	s23 =	sadd.s32 $0x7, s18;
	v25 =	vor.u32 s22, v4;
	[tilespmem:v12+s21+$0x0] =	vst.idx.msk $0xffff, v23;
	v12 =	vadd.f32 v24, v8;
	v13 =	vmul.f32 $5.656854150e+00, v13  }
0x11b: {  	v23 =	vld [tilespmem:s19+$0xFFFFFD00];
	v24 =	vor.u32 s23, v4;
	v11 =	vmul.f32 $5.656854150e+00, v11;
	[tilespmem:v16+s21+$0x0] =	vst.idx.msk $0xffff, v18;
	v15 =	vadd.f32 v15, v9  }
0x11c: {  	v16 =	vld [tilespmem:s19+$0xFFFFFD70];
	v18 =	vor.u32 s23, v5;
	v14 =	vmul.f32 $5.656854150e+00, v14;
	[tilespmem:v19+s21+$0x0] =	vst.idx.msk $0xffff, v12;
	v12 =	vadd.f32 v13, v8  }
0x11d: {  	s24 =	sadd.s32 $0x1, s18;
	v13 =	vld [tilespmem:s19+$0xFFFFFD80];
	v19 =	vor.u32 s22, v5;
	v17 =	vmul.f32 $5.656854150e+00, v17;
	v11 =	vadd.f32 v11, v9;
	[tilespmem:v20+s21+$0x0] =	vst.idx.msk $0xffff, v15  }
0x11e: {  	v15 =	vor.u32 s24, v4;
	v20 =	vld [tilespmem:s19+$0xFFFFFDF0];
	v14 =	vadd.f32 v14, v9;
	[tilespmem:v21+s21+$0x0] =	vst.idx.msk $0xffff, v12  }
0x11f: {  	v12 =	vmul.f32 $5.656854150e+00, v22;
	v21 =	vor.u32 s24, v5;
	s24 =	sadd.s32 $0x2, s18;
	v22 =	vld [tilespmem:s19+$0xFFFFFE00];
	v17 =	vadd.f32 v17, v8;
	[tilespmem:v25+s21+$0x0] =	vst.idx.msk $0xffff, v11  }
0x120: {  	v11 =	vmul.f32 $5.656854150e+00, v23;
	v23 =	vor.u32 s24, v4;
	v25 =	vld [tilespmem:s19+$0xFFFFFE70];
	[tilespmem:v24+s21+$0x0] =	vst.idx.msk $0xffff, v14  }
0x121: {  	s23 =	sadd.s32 $0x3, s18;
	v12 =	vadd.f32 v12, v9;
	v14 =	vmul.f32 $5.656854150e+00, v16;
	v16 =	vor.u32 s24, v5;
	v24 =	vld [tilespmem:s19+$0xFFFFFE80];
	[tilespmem:v18+s21+$0x0] =	vst.idx.msk $0xffff, v17  }
0x122: {  	v11 =	vadd.f32 v11, v8;
	v13 =	vmul.f32 $5.656854150e+00, v13;
	v17 =	vor.u32 s23, v4;
	v18 =	vld [tilespmem:s19+$0xFFFFFEF0];
	[tilespmem:v19+s21+$0x0] =	vst.idx.msk $0xffff, v10  }
0x123: {  	s24 =	sadd.s32 $0x4, s18;
	[tilespmem:v15+s21+$0x0] =	vst.idx.msk $0xffff, v12;
	v10 =	vadd.f32 v14, v9;
	v12 =	vmul.f32 $5.656854150e+00, v20;
	v14 =	vor.u32 s23, v5;
	v15 =	vld [tilespmem:s19+$0xFFFFFF00]  }
0x124: {  	v19 =	vor.u32 s24, v4;
	v20 =	vld [tilespmem:s19+$0xFFFFFF70];
	[tilespmem:v21+s21+$0x0] =	vst.idx.msk $0xffff, v11;
	v11 =	vadd.f32 v13, v8;
	v13 =	vmul.f32 $5.656854150e+00, v22  }
0x125: {  	s23 =	sadd.s32 $0x5, s18;
	v21 =	vor.u32 s24, v5;
	v22 =	vld [tilespmem:s19+$0xFFFFFF80];
	[tilespmem:v23+s21+$0x0] =	vst.idx.msk $0xffff, v10;
	v10 =	vadd.f32 v12, v9;
	v12 =	vmul.f32 $5.656854150e+00, v25  }
0x126: {  	v23 =	vld [tilespmem:s19+$0xFFFFFC70];
	[tilespmem:v16+s21+$0x0] =	vst.idx.msk $0xffff, v11;
	v11 =	vadd.f32 v13, v8;
	v13 =	vmul.f32 $5.656854150e+00, v24;
	v16 =	vor.u32 s23, v4  }
0x127: {  	s24 =	sadd.s32 $0x6, s18;
	v24 =	vld [tilespmem:s19+$0xFFFFFC80];
	[tilespmem:v17+s21+$0x0] =	vst.idx.msk $0xffff, v10;
	v10 =	vadd.f32 v12, v9;
	v12 =	vmul.f32 $5.656854150e+00, v18;
	v17 =	vor.u32 s23, v5  }
0x128: {  	[tilespmem:v14+s21+$0x0] =	vst.idx.msk $0xffff, v11;
	v11 =	vadd.f32 v13, v8;
	v13 =	vmul.f32 $5.656854150e+00, v15;
	v14 =	vor.u32 s24, v4  }
0x129: {  	v15 =	vor.u32 s24, v5;
	[tilespmem:v19+s21+$0x0] =	vst.idx.msk $0xffff, v10;
	v10 =	vadd.f32 v12, v9;
	v12 =	vmul.f32 $5.656854150e+00, v20  }
0x12a: {  	v18 =	vor.u32 s18, v4;
	[tilespmem:v21+s21+$0x0] =	vst.idx.msk $0xffff, v11;
	v11 =	vadd.f32 v13, v8;
	v13 =	vmul.f32 $5.656854150e+00, v22  }
0x12b: {  	v19 =	vmul.f32 $5.656854150e+00, v23;
	[tilespmem:v16+s21+$0x0] =	vst.idx.msk $0xffff, v10;
	v10 =	vadd.f32 v12, v9;
	v12 =	vor.u32 s18, v5  }
0x12c: {  	v16 =	vmul.f32 $5.656854150e+00, v24;
	[tilespmem:v17+s21+$0x0] =	vst.idx.msk $0xffff, v11;
	v11 =	vadd.f32 v13, v8  }
0x12d: {  	s10 =	sshll.u32 s10, $0x11;
	v9 =	vadd.f32 v19, v9;
	[tilespmem:v14+s21+$0x0] =	vst.idx.msk $0xffff, v10  }
0x12e: {  	s10 =	sor.u32 s4, s10;
	v8 =	vadd.f32 v16, v8;
	[tilespmem:v15+s21+$0x0] =	vst.idx.msk $0xffff, v11  }
0x12f: {  	s10 =	sshrl.u32 s10, $0x3;
	[tilespmem:v18+s21+$0x0] =	vst.idx.msk $0xffff, v9  }
0x130: {  	s10 =	sadd.s32 s1, s10;
	[tilespmem:v12+s21+$0x0] =	vst.idx.msk $0xffff, v8  }
0x131: {  	[hbm4b:s10+s2] =	stream.linear.scatter [tilespmem:s0], [sflag:$0x7], $0x400, $0x38;
	[tilespmem:$0x1FD00] =	vst v63  }
0x132: {  	s19 =	sadd.s32 $0x1000, s10  }
0x133: {  	[hbm4b:s19+s2] =	stream.linear.scatter [tilespmem:s3], [sflag:$0x7], $0x400, $0x38;
	[tilespmem:$0x1FD00] =	vst v63  }
0x134: {  	s22 =	sadd.s32 $0x2000, s10  }
0x135: {  	[hbm4b:s22+s2] =	stream.linear.scatter [tilespmem:s9], [sflag:$0x7], $0x400, $0x38;
	[tilespmem:$0x1FD00] =	vst v63  }
0x136: {  	s10 =	sadd.s32 $0x3000, s10  }
0x137: {  	[hbm4b:s10+s2] =	stream.linear.scatter [tilespmem:s11], [sflag:$0x7], $0x400, $0x38;
	[tilespmem:$0x1FD00] =	vst v63  }
0x138: {  	s8 =	sadd.s32 @!p1 $0x300, s8;
	s18 =	simm.s32 @!p1 $0xE400;
	s10 =	simm.s32 @!p1 $0x80  }
0x139: {  	[tilespmem:s18], [sflag:$0x3] =	stream.indirect.gather @!p1 [hbm4b:s5+s10], $0x80, s8, s10, $0xb8;
	[tilespmem:$0x1FD00] =	vst v63  }
0x13a: {  	_ =	swait.ge [sflag:s12], $0x4000  }
0x13b: {  	[sflag:s12] =	ssyncset.done $0x0  }
0x13c: {  	s8 =	simm.s32 @!p0 $0x8;
	[sflag:s12] =	ssyncadd.s32 $0xFFFFC000  }
0x13d: {  	_ =	swait.ge @!p0 [sflag:s8], $0x1000  }
0x13e: {  	s7 =	sor.u32 $0x3, s7;
	[sflag:s8] =	ssyncset.done @!p0 $0x0  }
0x13f: {  	s23 =	sshll.u32 s7, $0x5;
	[sflag:s8] =	ssyncadd.s32 @!p0 $0xFFFFF000  }
0x140: {  	s8 =	sor.u32 $0x70, s23;
	v9 =	vld [tilespmem:s23+$0x1E400]  }
0x141: {  	v8 =	vld [tilespmem:s8+$0x1E400];
	s8 =	simm.s32 $0x12790  }
0x142: {  	v10 =	vld [tilespmem:s8+$0xFFFFFFF0]  }
0x143: {  	v11 =	vld [tilespmem:s8+$0x0]  }
0x144: {  	v12 =	vld [tilespmem:s8+$0xFFFFFC80]  }
0x145: {  	v13 =	vld [tilespmem:s8+$0xFFFFFCF0]  }
0x146: {  	s24 =	simm.s32 $0x7;
	v14 =	vld [tilespmem:s8+$0xFFFFFD00]  }
0x147: {  	v15 =	vor.u32 s24, v6;
	v16 =	vld [tilespmem:s8+$0xFFFFFD70]  }
0x148: {  	v17 =	vor.u32 s24, v7;
	s18 =	simm.s32 $0x1;
	v18 =	vld [tilespmem:s8+$0xFFFFFD80];
	v10 =	vmul.f32 $5.656854150e+00, v10;
	v11 =	vmul.f32 $5.656854150e+00, v11  }
0x149: {  	v19 =	vor.u32 s18, v6;
	v22 =	vor.u32 s18, v7;
	v20 =	vld [tilespmem:s8+$0xFFFFFDF0];
	v12 =	vmul.f32 $5.656854150e+00, v12  }
0x14a: {  	s19 =	simm.s32 $0x2;
	v23 =	vld [tilespmem:s8+$0xFFFFFE00];
	v13 =	vmul.f32 $5.656854150e+00, v13;
	v21 =	vadd.f32 v10, v9;
	v11 =	vadd.f32 v11, v8  }
0x14b: {  	v24 =	vld [tilespmem:s8+$0xFFFFFE70];
	v10 =	vadd.f32 v12, v8;
	v12 =	vmul.f32 $5.656854150e+00, v14;
	v14 =	vor.u32 s19, v6  }
0x14c: {  	s22 =	simm.s32 $0x3;
	v13 =	vadd.f32 v13, v9;
	[tilespmem:v15+s21+$0x0] =	vst.idx.msk $0xffff, v21;
	v15 =	vmul.f32 $5.656854150e+00, v16;
	v16 =	vor.u32 s19, v7;
	v21 =	vld [tilespmem:s8+$0xFFFFFE80]  }
0x14d: {  	v25 =	vld [tilespmem:s8+$0xFFFFFEF0];
	[tilespmem:v17+s21+$0x0] =	vst.idx.msk $0xffff, v11;
	v11 =	vadd.f32 v12, v8;
	v12 =	vmul.f32 $5.656854150e+00, v18;
	v17 =	vor.u32 s22, v6  }
0x14e: {  	s23 =	simm.s32 $0x4;
	v26 =	vld [tilespmem:s8+$0xFFFFFF00];
	[tilespmem:v19+s21+$0x0] =	vst.idx.msk $0xffff, v13;
	v19 =	vmul.f32 $5.656854150e+00, v20;
	v20 =	vor.u32 s22, v7;
	v13 =	vadd.f32 v15, v9  }
0x14f: {  	v23 =	vmul.f32 $5.656854150e+00, v23;
	v18 =	vor.u32 s23, v6;
	v15 =	vld [tilespmem:s8+$0xFFFFFF70];
	[tilespmem:v22+s21+$0x0] =	vst.idx.msk $0xffff, v11;
	v22 =	vadd.f32 v12, v8  }
0x150: {  	s24 =	simm.s32 $0x5;
	v24 =	vmul.f32 $5.656854150e+00, v24;
	v19 =	vadd.f32 v19, v9;
	v12 =	vor.u32 s23, v7;
	[tilespmem:v14+s21+$0x0] =	vst.idx.msk $0xffff, v13;
	v13 =	vld [tilespmem:s8+$0xFFFFFF80]  }
0x151: {  	s10 =	simm.s32 $0x12B90;
	v23 =	vadd.f32 v23, v8;
	v11 =	vld [tilespmem:s8+$0xFFFFFC70];
	[tilespmem:v16+s21+$0x0] =	vst.idx.msk $0xffff, v22;
	v27 =	vmul.f32 $5.656854150e+00, v21;
	v16 =	vor.u32 s24, v6  }
0x152: {  	s22 =	simm.s32 $0x6;
	v14 =	vld [tilespmem:s10+$0xFFFFFFF0];
	v21 =	vadd.f32 v24, v9;
	v22 =	vmul.f32 $5.656854150e+00, v25;
	[tilespmem:v17+s21+$0x0] =	vst.idx.msk $0xffff, v19;
	v19 =	vor.u32 s24, v7  }
0x153: {  	s18 =	simm.s32 $0x0;
	s19 =	simm.s32 $0x10;
	s8 =	simm.s32 $0x8;
	v24 =	vmul.f32 $5.656854150e+00, v26;
	v17 =	vld [tilespmem:s10+$0x0];
	[tilespmem:v20+s21+$0x0] =	vst.idx.msk $0xffff, v23;
	v23 =	vadd.f32 v27, v8;
	v20 =	vor.u32 s22, v6  }
.LBB2_9:
0x154: {  	p0 =	slt.u32 s19, $0x78;
	v25 =	vld [tilespmem:s10+$0xFFFFFC80];
	[tilespmem:v18+s21+$0x0] =	vst.idx.msk $0xffff, v21;
	v18 =	vadd.f32 v22, v9;
	v15 =	vmul.f32 $5.656854150e+00, v15;
	v21 =	vor.u32 s22, v7  }
0x155: {  	s22 =	sadd.s32 $0x7, s8;
	v26 =	vor.u32 s18, v6;
	v22 =	vld [tilespmem:s10+$0xFFFFFCF0];
	[tilespmem:v12+s21+$0x0] =	vst.idx.msk $0xffff, v23;
	v12 =	vadd.f32 v24, v8;
	v13 =	vmul.f32 $5.656854150e+00, v13  }
0x156: {  	v24 =	vor.u32 s22, v6;
	v23 =	vld [tilespmem:s10+$0xFFFFFD00];
	v11 =	vmul.f32 $5.656854150e+00, v11;
	[tilespmem:v16+s21+$0x0] =	vst.idx.msk $0xffff, v18;
	v15 =	vadd.f32 v15, v9  }
0x157: {  	v18 =	vor.u32 s22, v7;
	v16 =	vld [tilespmem:s10+$0xFFFFFD70];
	v14 =	vmul.f32 $5.656854150e+00, v14;
	[tilespmem:v19+s21+$0x0] =	vst.idx.msk $0xffff, v12;
	v12 =	vadd.f32 v13, v8  }
0x158: {  	s22 =	sadd.s32 $0x1, s8;
	v19 =	vor.u32 s18, v7;
	s18 =	smov.u32 s8;
	s8 =	smov.u32 s19;
	v13 =	vld [tilespmem:s10+$0xFFFFFD80];
	v17 =	vmul.f32 $5.656854150e+00, v17;
	v11 =	vadd.f32 v11, v9;
	[tilespmem:v20+s21+$0x0] =	vst.idx.msk $0xffff, v15  }
0x159: {  	v20 =	vor.u32 s22, v6;
	v15 =	vmul.f32 $5.656854150e+00, v25;
	v25 =	vld [tilespmem:s10+$0xFFFFFDF0];
	v14 =	vadd.f32 v14, v9;
	[tilespmem:v21+s21+$0x0] =	vst.idx.msk $0xffff, v12  }
0x15a: {  	v21 =	vor.u32 s22, v7;
	s22 =	sadd.s32 $0x2, s18;
	v12 =	vmul.f32 $5.656854150e+00, v22;
	v22 =	vld [tilespmem:s10+$0xFFFFFE00];
	v17 =	vadd.f32 v17, v8;
	[tilespmem:v26+s21+$0x0] =	vst.idx.msk $0xffff, v11  }
0x15b: {  	v11 =	vadd.f32 v15, v8;
	v15 =	vmul.f32 $5.656854150e+00, v23;
	v23 =	vor.u32 s22, v6;
	v26 =	vld [tilespmem:s10+$0xFFFFFE70];
	[tilespmem:v24+s21+$0x0] =	vst.idx.msk $0xffff, v14  }
0x15c: {  	v12 =	vadd.f32 v12, v9;
	v14 =	vmul.f32 $5.656854150e+00, v16;
	v16 =	vor.u32 s22, v7;
	s22 =	sadd.s32 $0x3, s18;
	v24 =	vld [tilespmem:s10+$0xFFFFFE80];
	[tilespmem:v18+s21+$0x0] =	vst.idx.msk $0xffff, v17  }
0x15d: {  	v15 =	vadd.f32 v15, v8;
	v13 =	vmul.f32 $5.656854150e+00, v13;
	v17 =	vor.u32 s22, v6;
	v27 =	vld [tilespmem:s10+$0xFFFFFEF0];
	[tilespmem:v19+s21+$0x0] =	vst.idx.msk $0xffff, v10;
	v10 =	vmovc v11  }
0x15e: {  	[tilespmem:v20+s21+$0x0] =	vst.idx.msk $0xffff, v12;
	v11 =	vadd.f32 v14, v9;
	v12 =	vmul.f32 $5.656854150e+00, v25;
	v20 =	vor.u32 s22, v7;
	s22 =	sadd.s32 $0x4, s18;
	v25 =	vld [tilespmem:s10+$0xFFFFFF00]  }
.Ltmp5:
0x15f: {  	[tilespmem:v21+s21+$0x0] =	vst.idx.msk $0xffff, v15;
	v14 =	vadd.f32 v13, v8;
	v19 =	vmul.f32 $5.656854150e+00, v22;
	v18 =	vor.u32 s22, v6;
	v15 =	vld [tilespmem:s10+$0xFFFFFF70];
	(pc) =	sbr.rel @p0 .LBB2_9-.Ltmp5, $4  }
0x160: {  	[tilespmem:v23+s21+$0x0] =	vst.idx.msk $0xffff, v11;
	v21 =	vadd.f32 v12, v9;
	v22 =	vmul.f32 $5.656854150e+00, v26;
	v12 =	vor.u32 s22, v7;
	s22 =	sadd.s32 $0x5, s18;
	v13 =	vld [tilespmem:s10+$0xFFFFFF80]  }
0x161: {  	v11 =	vld [tilespmem:s10+$0xFFFFFC70];
	[tilespmem:v16+s21+$0x0] =	vst.idx.msk $0xffff, v14;
	v23 =	vadd.f32 v19, v8;
	v24 =	vmul.f32 $5.656854150e+00, v24;
	v16 =	vor.u32 s22, v6;
	s10 =	sadd.s32 $0x400, s10  }
0x162: {  	v19 =	vor.u32 s22, v7;
	s22 =	sadd.s32 $0x6, s18;
	v14 =	vld [tilespmem:s10+$0xFFFFFFF0];
	[tilespmem:v17+s21+$0x0] =	vst.idx.msk $0xffff, v21;
	v21 =	vadd.f32 v22, v9;
	v22 =	vmul.f32 $5.656854150e+00, v27  }
0x163: {  	s19 =	sadd.s32 $0x8, s19;
	v17 =	vld [tilespmem:s10+$0x0];
	[tilespmem:v20+s21+$0x0] =	vst.idx.msk $0xffff, v23;
	v23 =	vadd.f32 v24, v8;
	v24 =	vmul.f32 $5.656854150e+00, v25;
	v20 =	vor.u32 s22, v6  }
0x164: {  	_ =	sdelay $0x3  }
0x165: {  	[tilespmem:v18+s21+$0x0] =	vst.idx.msk $0xffff, v21;
	v41 =	vadd.f32 v22, v9;
	v15 =	vmul.f32 $5.656854150e+00, v15;
	v42 =	vor.u32 s22, v7  }
0x166: {  	v43 =	vld [tilespmem:s10+$0xFFFFFCF0];
	s19 =	sadd.s32 $0x7, s8;
	v25 =	vor.u32 s18, v6;
	[tilespmem:v12+s21+$0x0] =	vst.idx.msk $0xffff, v23;
	v44 =	vadd.f32 v24, v8;
	v13 =	vmul.f32 $5.656854150e+00, v13  }
0x167: {  	v47 =	vld [tilespmem:s10+$0xFFFFFD70];
	v46 =	vor.u32 s19, v6;
	v11 =	vmul.f32 $5.656854150e+00, v11;
	[tilespmem:v16+s21+$0x0] =	vst.idx.msk $0xffff, v41;
	v15 =	vadd.f32 v15, v9  }
0x168: {  	v51 =	vor.u32 s18, v7;
	v53 =	vld [tilespmem:s10+$0xFFFFFDF0];
	v14 =	vmul.f32 $5.656854150e+00, v14;
	[tilespmem:v19+s21+$0x0] =	vst.idx.msk $0xffff, v44;
	v49 =	vadd.f32 v13, v8  }
0x169: {  	s24 =	sadd.s32 $0x1, s8;
	v59 =	vld [tilespmem:s10+$0xFFFFFE70];
	v48 =	vor.u32 s19, v7;
	v11 =	vadd.f32 v11, v9;
	[tilespmem:v20+s21+$0x0] =	vst.idx.msk $0xffff, v15  }
0x16a: {  	v45 =	vld [tilespmem:s10+$0xFFFFFD00];
	s22 =	sadd.s32 $0x2, s8;
	v52 =	vor.u32 s24, v6;
	v17 =	vmul.f32 $5.656854150e+00, v17;
	v14 =	vadd.f32 v14, v9;
	[tilespmem:v42+s21+$0x0] =	vst.idx.msk $0xffff, v49  }
0x16b: {  	v50 =	vld [tilespmem:s10+$0xFFFFFD80];
	s23 =	sadd.s32 $0x3, s8;
	v55 =	vor.u32 s24, v7;
	v58 =	vor.u32 s22, v6;
	v54 =	vmul.f32 $5.656854150e+00, v43;
	[tilespmem:v25+s21+$0x0] =	vst.idx.msk $0xffff, v11  }
0x16c: {  	v56 =	vld [tilespmem:s10+$0xFFFFFE00];
	v63 =	vor.u32 s23, v6;
	s24 =	sadd.s32 $0x4, s8;
	v60 =	vmul.f32 $5.656854150e+00, v47;
	v17 =	vadd.f32 v17, v8;
	[tilespmem:v46+s21+$0x0] =	vst.idx.msk $0xffff, v14  }
0x16d: {  	v62 =	vld [tilespmem:s10+$0xFFFFFE80];
	v35 =	vor.u32 s24, v6;
	v30 =	vmul.f32 $5.656854150e+00, v53;
	v12 =	vadd.f32 v54, v9;
	[tilespmem:v51+s21+$0x0] =	vst.idx.msk $0xffff, v10  }
0x16e: {  	v28 =	vld [tilespmem:s10+$0xFFFFFEF0];
	v38 =	vmul.f32 $5.656854150e+00, v59;
	v29 =	vadd.f32 v60, v9;
	[tilespmem:v48+s21+$0x0] =	vst.idx.msk $0xffff, v17  }
0x16f: {  	v36 =	vld [tilespmem:s10+$0xFFFFFF70];
	v61 =	vor.u32 s22, v7;
	v57 =	vmul.f32 $5.656854150e+00, v45;
	v37 =	vadd.f32 v30, v9;
	[tilespmem:v52+s21+$0x0] =	vst.idx.msk $0xffff, v12  }
0x170: {  	v32 =	vld [tilespmem:s10+$0xFFFFFF00];
	v31 =	vor.u32 s23, v7;
	v13 =	vmul.f32 $5.656854150e+00, v50;
	v46 =	vadd.f32 v38, v9;
	[tilespmem:v58+s21+$0x0] =	vst.idx.msk $0xffff, v29  }
0x171: {  	v40 =	vld [tilespmem:s10+$0xFFFFFF80];
	s19 =	sadd.s32 $0x5, s8;
	v39 =	vor.u32 s24, v7;
	v34 =	vmul.f32 $5.656854150e+00, v56;
	v11 =	vadd.f32 v57, v8;
	[tilespmem:v63+s21+$0x0] =	vst.idx.msk $0xffff, v37  }
0x172: {  	s22 =	sadd.s32 $0x6, s8;
	v41 =	vld [tilespmem:s10+$0xFFFFFC70];
	v44 =	vor.u32 s19, v6;
	v43 =	vmul.f32 $5.656854150e+00, v62;
	v33 =	vadd.f32 v13, v8;
	[tilespmem:v35+s21+$0x0] =	vst.idx.msk $0xffff, v46  }
0x173: {  	v45 =	vld [tilespmem:s10+$0xFFFFFC80];
	v47 =	vmul.f32 $5.656854150e+00, v28;
	v42 =	vadd.f32 v34, v8;
	v51 =	vor.u32 s22, v6;
	[tilespmem:v55+s21+$0x0] =	vst.idx.msk $0xffff, v11  }
0x174: {  	v53 =	vmul.f32 $5.656854150e+00, v36;
	v49 =	vadd.f32 v43, v8;
	v48 =	vor.u32 s19, v7;
	[tilespmem:v61+s21+$0x0] =	vst.idx.msk $0xffff, v33  }
0x175: {  	v50 =	vmul.f32 $5.656854150e+00, v32;
	v54 =	vor.u32 s22, v7;
	v52 =	vadd.f32 v47, v9;
	[tilespmem:v31+s21+$0x0] =	vst.idx.msk $0xffff, v42  }
0x176: {  	v57 =	vmul.f32 $5.656854150e+00, v40;
	v59 =	vadd.f32 v53, v9;
	v55 =	vor.u32 s8, v6;
	[tilespmem:v39+s21+$0x0] =	vst.idx.msk $0xffff, v49  }
0x177: {  	v56 =	vadd.f32 v50, v8;
	v60 =	vor.u32 s8, v7;
	v58 =	vmul.f32 $5.656854150e+00, v41;
	[tilespmem:v44+s21+$0x0] =	vst.idx.msk $0xffff, v52  }
0x178: {  	v62 =	vadd.f32 v57, v8;
	v61 =	vmul.f32 $5.656854150e+00, v45;
	[tilespmem:v51+s21+$0x0] =	vst.idx.msk $0xffff, v59  }
0x179: {  	s7 =	sshll.u32 s7, $0x11;
	v63 =	vadd.f32 v58, v9;
	[tilespmem:v48+s21+$0x0] =	vst.idx.msk $0xffff, v56  }
0x17a: {  	s7 =	sor.u32 s4, s7;
	v8 =	vadd.f32 v61, v8;
	[tilespmem:v54+s21+$0x0] =	vst.idx.msk $0xffff, v62  }
0x17b: {  	s7 =	sshrl.u32 s7, $0x3;
	[tilespmem:v55+s21+$0x0] =	vst.idx.msk $0xffff, v63  }
0x17c: {  	s7 =	sadd.s32 s1, s7;
	[tilespmem:v60+s21+$0x0] =	vst.idx.msk $0xffff, v8  }
0x17d: {  	[hbm4b:s7+s2] =	stream.linear.scatter [tilespmem:s14], [sflag:$0x8], $0x400, $0x38;
	[tilespmem:$0x1FD00] =	vst v63  }
0x17e: {  	s23 =	sadd.s32 $0x1000, s7  }
0x17f: {  	[hbm4b:s23+s2] =	stream.linear.scatter [tilespmem:s15], [sflag:$0x8], $0x400, $0x38;
	[tilespmem:$0x1FD00] =	vst v63  }
.Ltmp6:
0x180: {  	_ = 	snop;
	(pc) =	sbr.rel @p1 .LBB2_12-.Ltmp6, $4  }
0x181: {  	s24 =	sadd.s32 $0x2000, s7  }
0x182: {  	[hbm4b:s24+s2] =	stream.linear.scatter [tilespmem:s16], [sflag:$0x8], $0x400, $0x38;
	[tilespmem:$0x1FD00] =	vst v63  }
0x183: {  	s7 =	sadd.s32 $0x3000, s7  }
0x184: {  	[hbm4b:s7+s2] =	stream.linear.scatter [tilespmem:s17], [sflag:$0x8], $0x400, $0x38;
	[tilespmem:$0x1FD00] =	vst v63  }
.Ltmp7:
0x185: {  	(pc) =	sbr.rel .LBB2_2-.Ltmp7, $4  }
0x186: {  	s7 =	sshll.u32 s6, $0x9  }
0x187: {  	s7 =	sand.u32 $0x3FFFFE00, s7  }
0x188: {  	s8 =	simm.s32 $0x12400;
	s6 =	sadd.s32 $0x1, s6;
	s7 =	sadd.s32 $0x380, s7  }
0x189: {  	[tilespmem:s8], [sflag:$0x4] =	stream.indirect.gather [hbm4b:s5+s13], $0x80, s7, s13, $0xb8;
	[tilespmem:$0x1FD00] =	vst v63  }
.LBB2_13:
0x18a: {  	_ =	sfence.sel $0x180000  }
0x18b: {  	[bflag:$0x0] =	sbarrier.arrive $0xFFFF  }
0x18c: {  	_ =	strace $0x90000047  }
0x18d: {  	s0 =	stileid.u32;
	[bflag:$0x2] =	sbarrier.arrive $0xFFFF  }
0x18e: {  	p0 =	sne.s32 s0, $0x0;
	s0 =	rddreg [dreg:$0x3]  }
0x18f: {  	s0 =	sadd.s32 @!p0 $0x100000, s0  }
0x190: {  	[sflag:s0] =	ssyncadd.tile.s32 @!p0 $0x1;
	_ =	shalt  }
.Lfunc_end2:
_tile_overlayer_lowered:
.L_overlay_start_2:
0x191: {  	(tag) =	ssettag $0x2  }
0x192: {  	s0 =	rddreg [dreg:$0x0];
	s2 =	stileid.u32  }
0x193: {  	s1 =	rddreg [dreg:$0x1];
	p0 =	sne.s32 s2, $0x0  }
0x194: {  	s3 =	rddreg [dreg:$0x2];
	[bflag:$0x3] =	sbarrier.arrive $0xFFFF;
	s2 =	simm.s32 @!p0 $0x1C09  }
0x195: {  	[timem:s3], [sflag:s2] =	dma.local @!p0 [hbm:s0], s1  }
0x196: {  	s0 =	simm.s32 @!p0 $0x9  }
0x197: {  	_ =	swait.ge @!p0 [sflag:s0], s1  }
0x198: {  	s1 =	ssub.s32 @!p0 $0x0, s1;
	[sflag:s0] =	ssyncset.done @!p0 $0x0  }
0x199: {  	[sflag:s0] =	ssyncadd.s32 @!p0 s1  }
0x19a: {  	[bflag:$0x3] =	sbarrier.arrive $0xFFFF  }
0x19b: {  	_ =	shalt  }

</sc_bundles>
